<compile_context>
chip_gen: v7x
topology: tpu7x:2x2x1
jax: 0.10.2.dev20260603
libtpu: 0.0.44.dev20260713+nightly
codegen_flags: <defaults>
</compile_context>

<pallas_src>
import math

import jax
import jax.numpy as jnp
from jax import lax
from jax.experimental import pallas as pl
from jax.experimental.pallas import tpu as pltpu
from jax.experimental.pallas import tpu_sc as plsc

D = 1024
NC = 2
NS = 16
NW = NC * NS
BATCH = 4
SEQ = 4096
TOTAL = BATCH * SEQ
PER_W = TOTAL // NW
WPR = SEQ // PER_W
CH = 8
NCH = PER_W // CH
NSLOT = 15
LEAD = 14
LANES = 16
VPR = D // LANES
SCALE = math.sqrt(D)


def _scale_buf(buf):
    def row(r, carry):
        def grp(j, carry2):
            sl = pl.ds(j * LANES, LANES)
            buf[r, sl] = buf[r, sl] * SCALE
            return carry2

        return lax.fori_loop(0, VPR, grp, carry, unroll=16)

    lax.fori_loop(0, CH, row, 0, unroll=False)


def _body(x_hbm, table_hbm, out_hbm, idx_v, buf, sg, so):
    wid = lax.axis_index("s") * NC + lax.axis_index("c")
    pltpu.sync_copy(
        x_hbm.at[wid // WPR, pl.ds((wid % WPR) * PER_W, PER_W)], idx_v)

    for n in range(LEAD):
        pltpu.async_copy(
            table_hbm.at[idx_v.at[pl.ds(n * CH, CH)]], buf.at[n], sg)

    def step(c, carry):
        n = c + LEAD
        bn = lax.rem(n, NSLOT)

        @pl.when(n < NCH)
        def _():
            @pl.when(c >= NSLOT - LEAD)
            def _():
                pltpu.make_async_copy(
                    buf.at[0], out_hbm.at[wid, 0], so).wait()

            pltpu.async_copy(
                table_hbm.at[idx_v.at[pl.ds(n * CH, CH)]], buf.at[bn], sg)

        b = lax.rem(c, NSLOT)
        pltpu.make_async_copy(
            table_hbm.at[idx_v.at[pl.ds(0, CH)]], buf.at[0], sg).wait()
        slot = buf.at[b]
        _scale_buf(slot)
        pltpu.async_copy(slot, out_hbm.at[wid, c], so)
        return carry

    lax.fori_loop(0, NCH, step, 0, unroll=False)

    for _ in range(NSLOT):
        pltpu.make_async_copy(buf.at[0], out_hbm.at[wid, 0], so).wait()


_mesh = plsc.VectorSubcoreMesh(core_axis_name="c", subcore_axis_name="s")

_gather_scale = pl.kernel(
    _body,
    mesh=_mesh,
    out_type=jax.ShapeDtypeStruct((NW, NCH, CH, D), jnp.float32),
    scratch_types=[
        pltpu.VMEM((PER_W,), jnp.int32),
        pltpu.VMEM((NSLOT, CH, D), jnp.float32),
        pltpu.SemaphoreType.DMA,
        pltpu.SemaphoreType.DMA,
    ],
)


def kernel(x, embedding):
    out = _gather_scale(x.astype(jnp.int32), embedding)
    return out.reshape(BATCH, SEQ, D)

# --- scband reference (transcript-rebuilt; emitter-appended) ---
"""Pipeline reference for scband-embeddings-1005022347533 (READ-ONLY COPY).

The authoritative reference and input builder live on the scoring server;
editing this copy changes nothing except your own understanding.
"""

import jax, jax.numpy as jnp
import numpy as np
import math

VOCAB = 100000
D_MODEL = 1024
BATCH = 4
SEQ = 4096

def setup_inputs(seed: int = 0) -> dict:
    key = jax.random.key(seed)
    k_idx, k_emb = jax.random.split(key)
    x = jax.random.randint(k_idx, (BATCH, SEQ), 0, VOCAB, dtype=jnp.int64 if jax.config.jax_enable_x64 else jnp.int32)
    # nn.Embed default init: normal(stddev=1.0 / sqrt(features)) is variance_scaling; use normal scaled
    embedding = jax.random.normal(k_emb, (VOCAB, D_MODEL), dtype=jnp.float32) * (1.0 / math.sqrt(D_MODEL))
    return {"x": x, "embedding": embedding}

def reference(x, embedding):
    # Embeddings.__call__: embed(x) * sqrt(model_dimension)
    out = jnp.take(embedding, x, axis=0) * math.sqrt(D_MODEL)
    return out

if __name__ == "__main__":
    import jax
    _d = setup_inputs()
    print(jax.jit(kernel)(*tuple(_d.values())))

</pallas_src>

<mosaic_0001>
#map = affine_map<(d0, d1) -> (0, 0)>
#map1 = affine_map<(d0, d1) -> (0, 0, 0, 0)>
module attributes {stable_mosaic.version = 14 : i64} {
  func.func @_body(%arg0: i32, %arg1: i32, %arg2: memref<4x4096xi32, #tpu.memory_space<hbm>>, %arg3: memref<100000x1024xf32, #tpu.memory_space<hbm>>, %arg4: memref<32x64x8x1024xf32, #tpu.memory_space<hbm>>, %arg5: memref<512xi32, #tpu.memory_space<vmem>>, %arg6: memref<15x8x1024xf32, #tpu.memory_space<vmem>>, %arg7: memref<!tpu.dma_semaphore, #tpu.memory_space<semaphore_mem>>, %arg8: memref<!tpu.dma_semaphore, #tpu.memory_space<semaphore_mem>>) attributes {dimension_semantics = [#tpu.dimension_semantics<core_parallel>, #tpu.dimension_semantics<subcore_parallel>], iteration_bounds = array<i64: 2, 16>, scalar_prefetch = 0 : i64, scratch_operands = 4 : i64, tpu.core_type = #tpu.core_type<sc_vector_subcore>, window_params = [{transform_indices = #map}, {transform_indices = #map}, {transform_indices = #map1}]} {
    %mul3A = arith.constant 2 : i32
    %mul3A_0 = arith.muli %arg1, %mul3A : i32
    %add3A = arith.addi %mul3A_0, %arg0 : i32
    %jit3A = arith.constant 8 : i32
    %div3A = arith.divsi %add3A, %jit3A : i32
    %sign3A = arith.constant 0 : i32
    %sign3A_1 = arith.cmpi sgt, %add3A, %sign3A : i32
    %sign3A_2 = arith.extui %sign3A_1 : i1 to i32
    %sign3A_3 = arith.constant 0 : i32
    %sign3A_4 = arith.cmpi slt, %add3A, %sign3A_3 : i32
    %sign3A_5 = arith.extui %sign3A_4 : i1 to i32
    %sign3A_6 = arith.subi %sign3A_2, %sign3A_5 : i32
    %sign3A_7 = arith.constant 0 : i32
    %sign3A_8 = arith.cmpi sgt, %jit3A, %sign3A_7 : i32
    %sign3A_9 = arith.extui %sign3A_8 : i1 to i32
    %sign3A_10 = arith.constant 0 : i32
    %sign3A_11 = arith.cmpi slt, %jit3A, %sign3A_10 : i32
    %sign3A_12 = arith.extui %sign3A_11 : i1 to i32
    %sign3A_13 = arith.subi %sign3A_9, %sign3A_12 : i32
    %ne3A = arith.cmpi ne, %sign3A_6, %sign3A_13 : i32
    %rem3A = arith.remsi %add3A, %jit3A : i32
    %ne3A_14 = arith.constant 0 : i32
    %ne3A_15 = arith.cmpi ne, %rem3A, %ne3A_14 : i32
    %and3A = arith.andi %ne3A, %ne3A_15 : i1
    %sub3A = arith.constant 1 : i32
    %sub3A_16 = arith.subi %div3A, %sub3A : i32
    %select_n3A = arith.select %and3A, %sub3A_16, %div3A : i32
    %jit3A_17 = arith.constant 8 : i32
    %eq3A = arith.constant 0 : i32
    %eq3A_18 = arith.cmpi eq, %jit3A_17, %eq3A : i32
    %jit3A_19 = arith.constant 1 : i32
    %select_n3A_20 = arith.select %eq3A_18, %jit3A_19, %jit3A_17 : i32
    %rem3A_21 = arith.remsi %add3A, %select_n3A_20 : i32
    %ne3A_22 = arith.constant 0 : i32
    %ne3A_23 = arith.cmpi ne, %rem3A_21, %ne3A_22 : i32
    %lt3A = arith.constant 0 : i32
    %lt3A_24 = arith.cmpi slt, %rem3A_21, %lt3A : i32
    %lt3A_25 = arith.constant 0 : i32
    %lt3A_26 = arith.cmpi slt, %select_n3A_20, %lt3A_25 : i32
    %ne3A_27 = arith.xori %lt3A_24, %lt3A_26 : i1
    %and3A_28 = arith.andi %ne3A_27, %ne3A_23 : i1
    %add3A_29 = arith.addi %rem3A_21, %select_n3A_20 : i32
    %select_n3A_30 = arith.select %and3A_28, %add3A_29, %rem3A_21 : i32
    %mul3A_31 = arith.constant 512 : i32
    %mul3A_32 = arith.muli %select_n3A_30, %mul3A_31 : i32
    "tpu.region"() ({
      %run_scoped3A = tpu.sem_alloc : memref<!tpu.dma_semaphore, #tpu.memory_space<semaphore_mem>>
      %dma_start3A_446 = tpu.memref_slice %arg2[%select_n3A, %mul3A_32] : memref<4x4096xi32, #tpu.memory_space<hbm>> -> memref<1x512xi32, #tpu.memory_space<hbm>>
      %dma_start3A_447 = tpu.memref_squeeze %dma_start3A_446 : memref<1x512xi32, #tpu.memory_space<hbm>> -> memref<512xi32, #tpu.memory_space<hbm>>
      %dma_start3A_448 = tpu.memref_slice %arg2[%select_n3A, %mul3A_32] : memref<4x4096xi32, #tpu.memory_space<hbm>> -> memref<1x512xi32, #tpu.memory_space<hbm>>
      %dma_start3A_449 = tpu.memref_squeeze %dma_start3A_448 : memref<1x512xi32, #tpu.memory_space<hbm>> -> memref<512xi32, #tpu.memory_space<hbm>>
      tpu.enqueue_dma source(%dma_start3A_449 : memref<512xi32, #tpu.memory_space<hbm>>) target(%arg5 : memref<512xi32, #tpu.memory_space<vmem>>) target_semaphore(%run_scoped3A : memref<!tpu.dma_semaphore, #tpu.memory_space<semaphore_mem>>)
      %dma_wait3A_450 = tpu.memref_slice %arg2[%select_n3A, %mul3A_32] : memref<4x4096xi32, #tpu.memory_space<hbm>> -> memref<1x512xi32, #tpu.memory_space<hbm>>
      %dma_wait3A_451 = tpu.memref_squeeze %dma_wait3A_450 : memref<1x512xi32, #tpu.memory_space<hbm>> -> memref<512xi32, #tpu.memory_space<hbm>>
      %dma_wait3A_452 = tpu.memref_slice %arg2[%select_n3A, %mul3A_32] : memref<4x4096xi32, #tpu.memory_space<hbm>> -> memref<1x512xi32, #tpu.memory_space<hbm>>
      %dma_wait3A_453 = tpu.memref_squeeze %dma_wait3A_452 : memref<1x512xi32, #tpu.memory_space<hbm>> -> memref<512xi32, #tpu.memory_space<hbm>>
      tpu.wait_dma2 semaphore(%run_scoped3A : memref<!tpu.dma_semaphore, #tpu.memory_space<semaphore_mem>>) src(%dma_wait3A_453 : memref<512xi32, #tpu.memory_space<hbm>>) dst(%arg5 : memref<512xi32, #tpu.memory_space<vmem>>)
      tpu.yield
    }) : () -> ()
    %dma_start3A = arith.constant 0 : i32
    %dma_start3A_33 = arith.constant 0 : i32
    %dma_start3A_34 = arith.constant 0 : i32
    %dma_start3A_35 = tpu.memref_slice %arg6[%dma_start3A, %dma_start3A_33, %dma_start3A_34] : memref<15x8x1024xf32, #tpu.memory_space<vmem>> -> memref<1x8x1024xf32, #tpu.memory_space<vmem>>
    %dma_start3A_36 = tpu.memref_squeeze %dma_start3A_35 : memref<1x8x1024xf32, #tpu.memory_space<vmem>> -> memref<8x1024xf32, #tpu.memory_space<vmem>>
    %dma_start3A_37 = arith.constant 0 : i32
    %dma_start3A_38 = tpu.memref_slice %arg5[%dma_start3A_37] : memref<512xi32, #tpu.memory_space<vmem>> -> memref<8xi32, #tpu.memory_space<vmem>>
    %dma_start3A_39 = arith.constant 0 : i32
    %dma_start3A_40 = arith.constant 0 : i32
    %dma_start3A_41 = tpu.memref_slice %arg3[%dma_start3A_39, %dma_start3A_40] : memref<100000x1024xf32, #tpu.memory_space<hbm>> -> memref<100000x1024xf32, #tpu.memory_space<hbm>>
    tpu.enqueue_indirect_dma source(%dma_start3A_41 : memref<100000x1024xf32, #tpu.memory_space<hbm>>) target(%dma_start3A_36 : memref<8x1024xf32, #tpu.memory_space<vmem>>) offsets(%dma_start3A_38 : memref<8xi32, #tpu.memory_space<vmem>>) semaphore(%arg7 : memref<!tpu.dma_semaphore, #tpu.memory_space<semaphore_mem>>)
    %dma_start3A_42 = arith.constant 1 : i32
    %dma_start3A_43 = arith.constant 0 : i32
    %dma_start3A_44 = arith.constant 0 : i32
    %dma_start3A_45 = tpu.memref_slice %arg6[%dma_start3A_42, %dma_start3A_43, %dma_start3A_44] : memref<15x8x1024xf32, #tpu.memory_space<vmem>> -> memref<1x8x1024xf32, #tpu.memory_space<vmem>>
    %dma_start3A_46 = tpu.memref_squeeze %dma_start3A_45 : memref<1x8x1024xf32, #tpu.memory_space<vmem>> -> memref<8x1024xf32, #tpu.memory_space<vmem>>
    %dma_start3A_47 = arith.constant 8 : i32
    %dma_start3A_48 = tpu.memref_slice %arg5[%dma_start3A_47] : memref<512xi32, #tpu.memory_space<vmem>> -> memref<8xi32, #tpu.memory_space<vmem>>
    %dma_start3A_49 = arith.constant 0 : i32
    %dma_start3A_50 = arith.constant 0 : i32
    %dma_start3A_51 = tpu.memref_slice %arg3[%dma_start3A_49, %dma_start3A_50] : memref<100000x1024xf32, #tpu.memory_space<hbm>> -> memref<100000x1024xf32, #tpu.memory_space<hbm>>
    tpu.enqueue_indirect_dma source(%dma_start3A_51 : memref<100000x1024xf32, #tpu.memory_space<hbm>>) target(%dma_start3A_46 : memref<8x1024xf32, #tpu.memory_space<vmem>>) offsets(%dma_start3A_48 : memref<8xi32, #tpu.memory_space<vmem>>) semaphore(%arg7 : memref<!tpu.dma_semaphore, #tpu.memory_space<semaphore_mem>>)
    %dma_start3A_52 = arith.constant 2 : i32
    %dma_start3A_53 = arith.constant 0 : i32
    %dma_start3A_54 = arith.constant 0 : i32
    %dma_start3A_55 = tpu.memref_slice %arg6[%dma_start3A_52, %dma_start3A_53, %dma_start3A_54] : memref<15x8x1024xf32, #tpu.memory_space<vmem>> -> memref<1x8x1024xf32, #tpu.memory_space<vmem>>
    %dma_start3A_56 = tpu.memref_squeeze %dma_start3A_55 : memref<1x8x1024xf32, #tpu.memory_space<vmem>> -> memref<8x1024xf32, #tpu.memory_space<vmem>>
    %dma_start3A_57 = arith.constant 16 : i32
    %dma_start3A_58 = tpu.memref_slice %arg5[%dma_start3A_57] : memref<512xi32, #tpu.memory_space<vmem>> -> memref<8xi32, #tpu.memory_space<vmem>>
    %dma_start3A_59 = arith.constant 0 : i32
    %dma_start3A_60 = arith.constant 0 : i32
    %dma_start3A_61 = tpu.memref_slice %arg3[%dma_start3A_59, %dma_start3A_60] : memref<100000x1024xf32, #tpu.memory_space<hbm>> -> memref<100000x1024xf32, #tpu.memory_space<hbm>>
    tpu.enqueue_indirect_dma source(%dma_start3A_61 : memref<100000x1024xf32, #tpu.memory_space<hbm>>) target(%dma_start3A_56 : memref<8x1024xf32, #tpu.memory_space<vmem>>) offsets(%dma_start3A_58 : memref<8xi32, #tpu.memory_space<vmem>>) semaphore(%arg7 : memref<!tpu.dma_semaphore, #tpu.memory_space<semaphore_mem>>)
    %dma_start3A_62 = arith.constant 3 : i32
    %dma_start3A_63 = arith.constant 0 : i32
    %dma_start3A_64 = arith.constant 0 : i32
    %dma_start3A_65 = tpu.memref_slice %arg6[%dma_start3A_62, %dma_start3A_63, %dma_start3A_64] : memref<15x8x1024xf32, #tpu.memory_space<vmem>> -> memref<1x8x1024xf32, #tpu.memory_space<vmem>>
    %dma_start3A_66 = tpu.memref_squeeze %dma_start3A_65 : memref<1x8x1024xf32, #tpu.memory_space<vmem>> -> memref<8x1024xf32, #tpu.memory_space<vmem>>
    %dma_start3A_67 = arith.constant 24 : i32
    %dma_start3A_68 = tpu.memref_slice %arg5[%dma_start3A_67] : memref<512xi32, #tpu.memory_space<vmem>> -> memref<8xi32, #tpu.memory_space<vmem>>
    %dma_start3A_69 = arith.constant 0 : i32
    %dma_start3A_70 = arith.constant 0 : i32
    %dma_start3A_71 = tpu.memref_slice %arg3[%dma_start3A_69, %dma_start3A_70] : memref<100000x1024xf32, #tpu.memory_space<hbm>> -> memref<100000x1024xf32, #tpu.memory_space<hbm>>
    tpu.enqueue_indirect_dma source(%dma_start3A_71 : memref<100000x1024xf32, #tpu.memory_space<hbm>>) target(%dma_start3A_66 : memref<8x1024xf32, #tpu.memory_space<vmem>>) offsets(%dma_start3A_68 : memref<8xi32, #tpu.memory_space<vmem>>) semaphore(%arg7 : memref<!tpu.dma_semaphore, #tpu.memory_space<semaphore_mem>>)
    %dma_start3A_72 = arith.constant 4 : i32
    %dma_start3A_73 = arith.constant 0 : i32
    %dma_start3A_74 = arith.constant 0 : i32
    %dma_start3A_75 = tpu.memref_slice %arg6[%dma_start3A_72, %dma_start3A_73, %dma_start3A_74] : memref<15x8x1024xf32, #tpu.memory_space<vmem>> -> memref<1x8x1024xf32, #tpu.memory_space<vmem>>
    %dma_start3A_76 = tpu.memref_squeeze %dma_start3A_75 : memref<1x8x1024xf32, #tpu.memory_space<vmem>> -> memref<8x1024xf32, #tpu.memory_space<vmem>>
    %dma_start3A_77 = arith.constant 32 : i32
    %dma_start3A_78 = tpu.memref_slice %arg5[%dma_start3A_77] : memref<512xi32, #tpu.memory_space<vmem>> -> memref<8xi32, #tpu.memory_space<vmem>>
    %dma_start3A_79 = arith.constant 0 : i32
    %dma_start3A_80 = arith.constant 0 : i32
    %dma_start3A_81 = tpu.memref_slice %arg3[%dma_start3A_79, %dma_start3A_80] : memref<100000x1024xf32, #tpu.memory_space<hbm>> -> memref<100000x1024xf32, #tpu.memory_space<hbm>>
    tpu.enqueue_indirect_dma source(%dma_start3A_81 : memref<100000x1024xf32, #tpu.memory_space<hbm>>) target(%dma_start3A_76 : memref<8x1024xf32, #tpu.memory_space<vmem>>) offsets(%dma_start3A_78 : memref<8xi32, #tpu.memory_space<vmem>>) semaphore(%arg7 : memref<!tpu.dma_semaphore, #tpu.memory_space<semaphore_mem>>)
    %dma_start3A_82 = arith.constant 5 : i32
    %dma_start3A_83 = arith.constant 0 : i32
    %dma_start3A_84 = arith.constant 0 : i32
    %dma_start3A_85 = tpu.memref_slice %arg6[%dma_start3A_82, %dma_start3A_83, %dma_start3A_84] : memref<15x8x1024xf32, #tpu.memory_space<vmem>> -> memref<1x8x1024xf32, #tpu.memory_space<vmem>>
    %dma_start3A_86 = tpu.memref_squeeze %dma_start3A_85 : memref<1x8x1024xf32, #tpu.memory_space<vmem>> -> memref<8x1024xf32, #tpu.memory_space<vmem>>
    %dma_start3A_87 = arith.constant 40 : i32
    %dma_start3A_88 = tpu.memref_slice %arg5[%dma_start3A_87] : memref<512xi32, #tpu.memory_space<vmem>> -> memref<8xi32, #tpu.memory_space<vmem>>
    %dma_start3A_89 = arith.constant 0 : i32
    %dma_start3A_90 = arith.constant 0 : i32
    %dma_start3A_91 = tpu.memref_slice %arg3[%dma_start3A_89, %dma_start3A_90] : memref<100000x1024xf32, #tpu.memory_space<hbm>> -> memref<100000x1024xf32, #tpu.memory_space<hbm>>
    tpu.enqueue_indirect_dma source(%dma_start3A_91 : memref<100000x1024xf32, #tpu.memory_space<hbm>>) target(%dma_start3A_86 : memref<8x1024xf32, #tpu.memory_space<vmem>>) offsets(%dma_start3A_88 : memref<8xi32, #tpu.memory_space<vmem>>) semaphore(%arg7 : memref<!tpu.dma_semaphore, #tpu.memory_space<semaphore_mem>>)
    %dma_start3A_92 = arith.constant 6 : i32
    %dma_start3A_93 = arith.constant 0 : i32
    %dma_start3A_94 = arith.constant 0 : i32
    %dma_start3A_95 = tpu.memref_slice %arg6[%dma_start3A_92, %dma_start3A_93, %dma_start3A_94] : memref<15x8x1024xf32, #tpu.memory_space<vmem>> -> memref<1x8x1024xf32, #tpu.memory_space<vmem>>
    %dma_start3A_96 = tpu.memref_squeeze %dma_start3A_95 : memref<1x8x1024xf32, #tpu.memory_space<vmem>> -> memref<8x1024xf32, #tpu.memory_space<vmem>>
    %dma_start3A_97 = arith.constant 48 : i32
    %dma_start3A_98 = tpu.memref_slice %arg5[%dma_start3A_97] : memref<512xi32, #tpu.memory_space<vmem>> -> memref<8xi32, #tpu.memory_space<vmem>>
    %dma_start3A_99 = arith.constant 0 : i32
    %dma_start3A_100 = arith.constant 0 : i32
    %dma_start3A_101 = tpu.memref_slice %arg3[%dma_start3A_99, %dma_start3A_100] : memref<100000x1024xf32, #tpu.memory_space<hbm>> -> memref<100000x1024xf32, #tpu.memory_space<hbm>>
    tpu.enqueue_indirect_dma source(%dma_start3A_101 : memref<100000x1024xf32, #tpu.memory_space<hbm>>) target(%dma_start3A_96 : memref<8x1024xf32, #tpu.memory_space<vmem>>) offsets(%dma_start3A_98 : memref<8xi32, #tpu.memory_space<vmem>>) semaphore(%arg7 : memref<!tpu.dma_semaphore, #tpu.memory_space<semaphore_mem>>)
    %dma_start3A_102 = arith.constant 7 : i32
    %dma_start3A_103 = arith.constant 0 : i32
    %dma_start3A_104 = arith.constant 0 : i32
    %dma_start3A_105 = tpu.memref_slice %arg6[%dma_start3A_102, %dma_start3A_103, %dma_start3A_104] : memref<15x8x1024xf32, #tpu.memory_space<vmem>> -> memref<1x8x1024xf32, #tpu.memory_space<vmem>>
    %dma_start3A_106 = tpu.memref_squeeze %dma_start3A_105 : memref<1x8x1024xf32, #tpu.memory_space<vmem>> -> memref<8x1024xf32, #tpu.memory_space<vmem>>
    %dma_start3A_107 = arith.constant 56 : i32
    %dma_start3A_108 = tpu.memref_slice %arg5[%dma_start3A_107] : memref<512xi32, #tpu.memory_space<vmem>> -> memref<8xi32, #tpu.memory_space<vmem>>
    %dma_start3A_109 = arith.constant 0 : i32
    %dma_start3A_110 = arith.constant 0 : i32
    %dma_start3A_111 = tpu.memref_slice %arg3[%dma_start3A_109, %dma_start3A_110] : memref<100000x1024xf32, #tpu.memory_space<hbm>> -> memref<100000x1024xf32, #tpu.memory_space<hbm>>
    tpu.enqueue_indirect_dma source(%dma_start3A_111 : memref<100000x1024xf32, #tpu.memory_space<hbm>>) target(%dma_start3A_106 : memref<8x1024xf32, #tpu.memory_space<vmem>>) offsets(%dma_start3A_108 : memref<8xi32, #tpu.memory_space<vmem>>) semaphore(%arg7 : memref<!tpu.dma_semaphore, #tpu.memory_space<semaphore_mem>>)
    %dma_start3A_112 = arith.constant 8 : i32
    %dma_start3A_113 = arith.constant 0 : i32
    %dma_start3A_114 = arith.constant 0 : i32
    %dma_start3A_115 = tpu.memref_slice %arg6[%dma_start3A_112, %dma_start3A_113, %dma_start3A_114] : memref<15x8x1024xf32, #tpu.memory_space<vmem>> -> memref<1x8x1024xf32, #tpu.memory_space<vmem>>
    %dma_start3A_116 = tpu.memref_squeeze %dma_start3A_115 : memref<1x8x1024xf32, #tpu.memory_space<vmem>> -> memref<8x1024xf32, #tpu.memory_space<vmem>>
    %dma_start3A_117 = arith.constant 64 : i32
    %dma_start3A_118 = tpu.memref_slice %arg5[%dma_start3A_117] : memref<512xi32, #tpu.memory_space<vmem>> -> memref<8xi32, #tpu.memory_space<vmem>>
    %dma_start3A_119 = arith.constant 0 : i32
    %dma_start3A_120 = arith.constant 0 : i32
    %dma_start3A_121 = tpu.memref_slice %arg3[%dma_start3A_119, %dma_start3A_120] : memref<100000x1024xf32, #tpu.memory_space<hbm>> -> memref<100000x1024xf32, #tpu.memory_space<hbm>>
    tpu.enqueue_indirect_dma source(%dma_start3A_121 : memref<100000x1024xf32, #tpu.memory_space<hbm>>) target(%dma_start3A_116 : memref<8x1024xf32, #tpu.memory_space<vmem>>) offsets(%dma_start3A_118 : memref<8xi32, #tpu.memory_space<vmem>>) semaphore(%arg7 : memref<!tpu.dma_semaphore, #tpu.memory_space<semaphore_mem>>)
    %dma_start3A_122 = arith.constant 9 : i32
    %dma_start3A_123 = arith.constant 0 : i32
    %dma_start3A_124 = arith.constant 0 : i32
    %dma_start3A_125 = tpu.memref_slice %arg6[%dma_start3A_122, %dma_start3A_123, %dma_start3A_124] : memref<15x8x1024xf32, #tpu.memory_space<vmem>> -> memref<1x8x1024xf32, #tpu.memory_space<vmem>>
    %dma_start3A_126 = tpu.memref_squeeze %dma_start3A_125 : memref<1x8x1024xf32, #tpu.memory_space<vmem>> -> memref<8x1024xf32, #tpu.memory_space<vmem>>
    %dma_start3A_127 = arith.constant 72 : i32
    %dma_start3A_128 = tpu.memref_slice %arg5[%dma_start3A_127] : memref<512xi32, #tpu.memory_space<vmem>> -> memref<8xi32, #tpu.memory_space<vmem>>
    %dma_start3A_129 = arith.constant 0 : i32
    %dma_start3A_130 = arith.constant 0 : i32
    %dma_start3A_131 = tpu.memref_slice %arg3[%dma_start3A_129, %dma_start3A_130] : memref<100000x1024xf32, #tpu.memory_space<hbm>> -> memref<100000x1024xf32, #tpu.memory_space<hbm>>
    tpu.enqueue_indirect_dma source(%dma_start3A_131 : memref<100000x1024xf32, #tpu.memory_space<hbm>>) target(%dma_start3A_126 : memref<8x1024xf32, #tpu.memory_space<vmem>>) offsets(%dma_start3A_128 : memref<8xi32, #tpu.memory_space<vmem>>) semaphore(%arg7 : memref<!tpu.dma_semaphore, #tpu.memory_space<semaphore_mem>>)
    %dma_start3A_132 = arith.constant 10 : i32
    %dma_start3A_133 = arith.constant 0 : i32
    %dma_start3A_134 = arith.constant 0 : i32
    %dma_start3A_135 = tpu.memref_slice %arg6[%dma_start3A_132, %dma_start3A_133, %dma_start3A_134] : memref<15x8x1024xf32, #tpu.memory_space<vmem>> -> memref<1x8x1024xf32, #tpu.memory_space<vmem>>
    %dma_start3A_136 = tpu.memref_squeeze %dma_start3A_135 : memref<1x8x1024xf32, #tpu.memory_space<vmem>> -> memref<8x1024xf32, #tpu.memory_space<vmem>>
    %dma_start3A_137 = arith.constant 80 : i32
    %dma_start3A_138 = tpu.memref_slice %arg5[%dma_start3A_137] : memref<512xi32, #tpu.memory_space<vmem>> -> memref<8xi32, #tpu.memory_space<vmem>>
    %dma_start3A_139 = arith.constant 0 : i32
    %dma_start3A_140 = arith.constant 0 : i32
    %dma_start3A_141 = tpu.memref_slice %arg3[%dma_start3A_139, %dma_start3A_140] : memref<100000x1024xf32, #tpu.memory_space<hbm>> -> memref<100000x1024xf32, #tpu.memory_space<hbm>>
    tpu.enqueue_indirect_dma source(%dma_start3A_141 : memref<100000x1024xf32, #tpu.memory_space<hbm>>) target(%dma_start3A_136 : memref<8x1024xf32, #tpu.memory_space<vmem>>) offsets(%dma_start3A_138 : memref<8xi32, #tpu.memory_space<vmem>>) semaphore(%arg7 : memref<!tpu.dma_semaphore, #tpu.memory_space<semaphore_mem>>)
    %dma_start3A_142 = arith.constant 11 : i32
    %dma_start3A_143 = arith.constant 0 : i32
    %dma_start3A_144 = arith.constant 0 : i32
    %dma_start3A_145 = tpu.memref_slice %arg6[%dma_start3A_142, %dma_start3A_143, %dma_start3A_144] : memref<15x8x1024xf32, #tpu.memory_space<vmem>> -> memref<1x8x1024xf32, #tpu.memory_space<vmem>>
    %dma_start3A_146 = tpu.memref_squeeze %dma_start3A_145 : memref<1x8x1024xf32, #tpu.memory_space<vmem>> -> memref<8x1024xf32, #tpu.memory_space<vmem>>
    %dma_start3A_147 = arith.constant 88 : i32
    %dma_start3A_148 = tpu.memref_slice %arg5[%dma_start3A_147] : memref<512xi32, #tpu.memory_space<vmem>> -> memref<8xi32, #tpu.memory_space<vmem>>
    %dma_start3A_149 = arith.constant 0 : i32
    %dma_start3A_150 = arith.constant 0 : i32
    %dma_start3A_151 = tpu.memref_slice %arg3[%dma_start3A_149, %dma_start3A_150] : memref<100000x1024xf32, #tpu.memory_space<hbm>> -> memref<100000x1024xf32, #tpu.memory_space<hbm>>
    tpu.enqueue_indirect_dma source(%dma_start3A_151 : memref<100000x1024xf32, #tpu.memory_space<hbm>>) target(%dma_start3A_146 : memref<8x1024xf32, #tpu.memory_space<vmem>>) offsets(%dma_start3A_148 : memref<8xi32, #tpu.memory_space<vmem>>) semaphore(%arg7 : memref<!tpu.dma_semaphore, #tpu.memory_space<semaphore_mem>>)
    %dma_start3A_152 = arith.constant 12 : i32
    %dma_start3A_153 = arith.constant 0 : i32
    %dma_start3A_154 = arith.constant 0 : i32
    %dma_start3A_155 = tpu.memref_slice %arg6[%dma_start3A_152, %dma_start3A_153, %dma_start3A_154] : memref<15x8x1024xf32, #tpu.memory_space<vmem>> -> memref<1x8x1024xf32, #tpu.memory_space<vmem>>
    %dma_start3A_156 = tpu.memref_squeeze %dma_start3A_155 : memref<1x8x1024xf32, #tpu.memory_space<vmem>> -> memref<8x1024xf32, #tpu.memory_space<vmem>>
    %dma_start3A_157 = arith.constant 96 : i32
    %dma_start3A_158 = tpu.memref_slice %arg5[%dma_start3A_157] : memref<512xi32, #tpu.memory_space<vmem>> -> memref<8xi32, #tpu.memory_space<vmem>>
    %dma_start3A_159 = arith.constant 0 : i32
    %dma_start3A_160 = arith.constant 0 : i32
    %dma_start3A_161 = tpu.memref_slice %arg3[%dma_start3A_159, %dma_start3A_160] : memref<100000x1024xf32, #tpu.memory_space<hbm>> -> memref<100000x1024xf32, #tpu.memory_space<hbm>>
    tpu.enqueue_indirect_dma source(%dma_start3A_161 : memref<100000x1024xf32, #tpu.memory_space<hbm>>) target(%dma_start3A_156 : memref<8x1024xf32, #tpu.memory_space<vmem>>) offsets(%dma_start3A_158 : memref<8xi32, #tpu.memory_space<vmem>>) semaphore(%arg7 : memref<!tpu.dma_semaphore, #tpu.memory_space<semaphore_mem>>)
    %dma_start3A_162 = arith.constant 13 : i32
    %dma_start3A_163 = arith.constant 0 : i32
    %dma_start3A_164 = arith.constant 0 : i32
    %dma_start3A_165 = tpu.memref_slice %arg6[%dma_start3A_162, %dma_start3A_163, %dma_start3A_164] : memref<15x8x1024xf32, #tpu.memory_space<vmem>> -> memref<1x8x1024xf32, #tpu.memory_space<vmem>>
    %dma_start3A_166 = tpu.memref_squeeze %dma_start3A_165 : memref<1x8x1024xf32, #tpu.memory_space<vmem>> -> memref<8x1024xf32, #tpu.memory_space<vmem>>
    %dma_start3A_167 = arith.constant 104 : i32
    %dma_start3A_168 = tpu.memref_slice %arg5[%dma_start3A_167] : memref<512xi32, #tpu.memory_space<vmem>> -> memref<8xi32, #tpu.memory_space<vmem>>
    %dma_start3A_169 = arith.constant 0 : i32
    %dma_start3A_170 = arith.constant 0 : i32
    %dma_start3A_171 = tpu.memref_slice %arg3[%dma_start3A_169, %dma_start3A_170] : memref<100000x1024xf32, #tpu.memory_space<hbm>> -> memref<100000x1024xf32, #tpu.memory_space<hbm>>
    tpu.enqueue_indirect_dma source(%dma_start3A_171 : memref<100000x1024xf32, #tpu.memory_space<hbm>>) target(%dma_start3A_166 : memref<8x1024xf32, #tpu.memory_space<vmem>>) offsets(%dma_start3A_168 : memref<8xi32, #tpu.memory_space<vmem>>) semaphore(%arg7 : memref<!tpu.dma_semaphore, #tpu.memory_space<semaphore_mem>>)
    %scan3A = arith.constant 0 : i32
    %scan3A_172 = arith.constant 0 : i32
    %scan3A_173 = arith.constant 64 : i32
    %scan3A_174 = arith.addi %scan3A_172, %scan3A_173 : i32
    %scan3A_175 = arith.constant 1 : i32
    scf.for %scan3A_446 = %scan3A_172 to %scan3A_174 step %scan3A_175  : i32 {
      %add3A_447 = arith.constant 14 : i32
      %add3A_448 = arith.addi %scan3A_446, %add3A_447 : i32
      %rem3A_449 = arith.constant 15 : i32
      %rem3A_450 = arith.remsi %add3A_448, %rem3A_449 : i32
      %lt3A_451 = arith.constant 64 : i32
      %lt3A_452 = arith.cmpi slt, %add3A_448, %lt3A_451 : i32
      %convert_element_type3A = arith.extui %lt3A_452 : i1 to i32
      %cond3A = arith.constant 0 : i32
      %cond3A_453 = arith.cmpi ne, %convert_element_type3A, %cond3A : i32
      scf.if %cond3A_453 {
        %ge3A = arith.constant 1 : i32
        %ge3A_488 = arith.cmpi sge, %scan3A_446, %ge3A : i32
        %convert_element_type3A_489 = arith.extui %ge3A_488 : i1 to i32
        %cond3A_490 = arith.constant 0 : i32
        %cond3A_491 = arith.cmpi ne, %convert_element_type3A_489, %cond3A_490 : i32
        scf.if %cond3A_491 {
          %dma_wait3A_502 = arith.constant 0 : i32
          %dma_wait3A_503 = arith.constant 0 : i32
          %dma_wait3A_504 = arith.constant 0 : i32
          %dma_wait3A_505 = arith.constant 0 : i32
          %dma_wait3A_506 = tpu.memref_slice %arg6[%dma_wait3A_502, %dma_wait3A_504, %dma_wait3A_505] : memref<15x8x1024xf32, #tpu.memory_space<vmem>> -> memref<1x8x1024xf32, #tpu.memory_space<vmem>>
          %dma_wait3A_507 = tpu.memref_squeeze %dma_wait3A_506 : memref<1x8x1024xf32, #tpu.memory_space<vmem>> -> memref<8x1024xf32, #tpu.memory_space<vmem>>
          %dma_wait3A_508 = arith.constant 0 : i32
          %dma_wait3A_509 = arith.constant 0 : i32
          %dma_wait3A_510 = tpu.memref_slice %arg4[%add3A, %dma_wait3A_503, %dma_wait3A_508, %dma_wait3A_509] : memref<32x64x8x1024xf32, #tpu.memory_space<hbm>> -> memref<1x1x8x1024xf32, #tpu.memory_space<hbm>>
          %dma_wait3A_511 = tpu.memref_squeeze %dma_wait3A_510 : memref<1x1x8x1024xf32, #tpu.memory_space<hbm>> -> memref<8x1024xf32, #tpu.memory_space<hbm>>
          %dma_wait3A_512 = arith.constant 0 : i32
          %dma_wait3A_513 = arith.constant 0 : i32
          %dma_wait3A_514 = tpu.memref_slice %arg4[%add3A, %dma_wait3A_503, %dma_wait3A_512, %dma_wait3A_513] : memref<32x64x8x1024xf32, #tpu.memory_space<hbm>> -> memref<1x1x8x1024xf32, #tpu.memory_space<hbm>>
          %dma_wait3A_515 = tpu.memref_squeeze %dma_wait3A_514 : memref<1x1x8x1024xf32, #tpu.memory_space<hbm>> -> memref<8x1024xf32, #tpu.memory_space<hbm>>
          %dma_wait3A_516 = arith.constant 0 : i32
          %dma_wait3A_517 = arith.constant 0 : i32
          %dma_wait3A_518 = tpu.memref_slice %arg6[%dma_wait3A_502, %dma_wait3A_516, %dma_wait3A_517] : memref<15x8x1024xf32, #tpu.memory_space<vmem>> -> memref<1x8x1024xf32, #tpu.memory_space<vmem>>
          %dma_wait3A_519 = tpu.memref_squeeze %dma_wait3A_518 : memref<1x8x1024xf32, #tpu.memory_space<vmem>> -> memref<8x1024xf32, #tpu.memory_space<vmem>>
          tpu.wait_dma2 semaphore(%arg8 : memref<!tpu.dma_semaphore, #tpu.memory_space<semaphore_mem>>) src(%dma_wait3A_519 : memref<8x1024xf32, #tpu.memory_space<vmem>>) dst(%dma_wait3A_515 : memref<8x1024xf32, #tpu.memory_space<hbm>>)
        } else {
        }
        %mul3A_492 = arith.constant 8 : i32
        %mul3A_493 = arith.muli %add3A_448, %mul3A_492 : i32
        %dma_start3A_494 = arith.constant 0 : i32
        %dma_start3A_495 = arith.constant 0 : i32
        %dma_start3A_496 = tpu.memref_slice %arg6[%rem3A_450, %dma_start3A_494, %dma_start3A_495] : memref<15x8x1024xf32, #tpu.memory_space<vmem>> -> memref<1x8x1024xf32, #tpu.memory_space<vmem>>
        %dma_start3A_497 = tpu.memref_squeeze %dma_start3A_496 : memref<1x8x1024xf32, #tpu.memory_space<vmem>> -> memref<8x1024xf32, #tpu.memory_space<vmem>>
        %dma_start3A_498 = tpu.memref_slice %arg5[%mul3A_493] : memref<512xi32, #tpu.memory_space<vmem>> -> memref<8xi32, #tpu.memory_space<vmem>>
        %dma_start3A_499 = arith.constant 0 : i32
        %dma_start3A_500 = arith.constant 0 : i32
        %dma_start3A_501 = tpu.memref_slice %arg3[%dma_start3A_499, %dma_start3A_500] : memref<100000x1024xf32, #tpu.memory_space<hbm>> -> memref<100000x1024xf32, #tpu.memory_space<hbm>>
        tpu.enqueue_indirect_dma source(%dma_start3A_501 : memref<100000x1024xf32, #tpu.memory_space<hbm>>) target(%dma_start3A_497 : memref<8x1024xf32, #tpu.memory_space<vmem>>) offsets(%dma_start3A_498 : memref<8xi32, #tpu.memory_space<vmem>>) semaphore(%arg7 : memref<!tpu.dma_semaphore, #tpu.memory_space<semaphore_mem>>)
      } else {
      }
      %rem3A_454 = arith.constant 15 : i32
      %rem3A_455 = arith.remsi %scan3A_446, %rem3A_454 : i32
      %dma_wait3A_456 = arith.constant 0 : i32
      %dma_wait3A_457 = arith.constant 0 : i32
      %dma_wait3A_458 = arith.constant 0 : i32
      %dma_wait3A_459 = tpu.memref_slice %arg6[%dma_wait3A_456, %dma_wait3A_457, %dma_wait3A_458] : memref<15x8x1024xf32, #tpu.memory_space<vmem>> -> memref<1x8x1024xf32, #tpu.memory_space<vmem>>
      %dma_wait3A_460 = tpu.memref_squeeze %dma_wait3A_459 : memref<1x8x1024xf32, #tpu.memory_space<vmem>> -> memref<8x1024xf32, #tpu.memory_space<vmem>>
      %dma_wait3A_461 = arith.constant 0 : i32
      %dma_wait3A_462 = tpu.memref_slice %arg5[%dma_wait3A_461] : memref<512xi32, #tpu.memory_space<vmem>> -> memref<8xi32, #tpu.memory_space<vmem>>
      %dma_wait3A_463 = arith.constant 0 : i32
      %dma_wait3A_464 = arith.constant 0 : i32
      %dma_wait3A_465 = tpu.memref_slice %arg3[%dma_wait3A_463, %dma_wait3A_464] : memref<100000x1024xf32, #tpu.memory_space<hbm>> -> memref<100000x1024xf32, #tpu.memory_space<hbm>>
      tpu.wait_indirect_dma semaphore(%arg7 : memref<!tpu.dma_semaphore, #tpu.memory_space<semaphore_mem>>) src(%dma_wait3A_465 : memref<100000x1024xf32, #tpu.memory_space<hbm>>) dst(%dma_wait3A_460 : memref<8x1024xf32, #tpu.memory_space<vmem>>)
      %scan3A_466 = arith.constant 0 : i32
      %scan3A_467 = arith.constant 0 : i32
      %scan3A_468 = arith.constant 8 : i32
      %scan3A_469 = arith.addi %scan3A_467, %scan3A_468 : i32
      %scan3A_470 = arith.constant 1 : i32
      scf.for %scan3A_488 = %scan3A_467 to %scan3A_469 step %scan3A_470  : i32 {
        %scan3A_489 = arith.constant 0 : i32
        %scan3A_490 = arith.constant 64 : i32
        %scan3A_491 = arith.addi %scan3A_489, %scan3A_490 : i32
        %scan3A_492 = arith.constant 16 : i32
        scf.for %scan3A_494 = %scan3A_489 to %scan3A_491 step %scan3A_492  : i32 {
          %mul3A_495 = arith.constant 16 : i32
          %mul3A_496 = arith.muli %scan3A_494, %mul3A_495 : i32
          %get3A = arith.constant 0 : i32
          %get3A_497 = arith.constant 0 : i32
          %get3A_498 = tpu.memref_slice %arg6[%rem3A_455, %get3A, %get3A_497] : memref<15x8x1024xf32, #tpu.memory_space<vmem>> -> memref<1x8x1024xf32, #tpu.memory_space<vmem>>
          %get3A_499 = tpu.memref_squeeze %get3A_498 : memref<1x8x1024xf32, #tpu.memory_space<vmem>> -> memref<8x1024xf32, #tpu.memory_space<vmem>>
          %get3A_500 = arith.index_cast %scan3A_488 : i32 to index
          %get3A_501 = arith.index_cast %mul3A_496 : i32 to index
          %get3A_502 = tpu.vector_load %get3A_499[%get3A_500, %get3A_501] {strides = array<i32>} : memref<8x1024xf32, #tpu.memory_space<vmem>>, vector<1x16xf32>,
          %get3A_503 = vector.shape_cast %get3A_502 : vector<1x16xf32> to vector<16xf32>
          %mul3A_504 = arith.constant 3.200000e+01 : f32
          %mul3A_505 = vector.broadcast %mul3A_504 : f32 to vector<16xf32>
          %mul3A_506 = arith.mulf %get3A_503, %mul3A_505 : vector<16xf32>
          %swap3A = arith.constant 0 : i32
          %swap3A_507 = arith.constant 0 : i32
          %swap3A_508 = tpu.memref_slice %arg6[%rem3A_455, %swap3A, %swap3A_507] : memref<15x8x1024xf32, #tpu.memory_space<vmem>> -> memref<1x8x1024xf32, #tpu.memory_space<vmem>>
          %swap3A_509 = tpu.memref_squeeze %swap3A_508 : memref<1x8x1024xf32, #tpu.memory_space<vmem>> -> memref<8x1024xf32, #tpu.memory_space<vmem>>
          %swap3A_510 = arith.index_cast %scan3A_488 : i32 to index
          %swap3A_511 = arith.index_cast %mul3A_496 : i32 to index
          %swap3A_512 = tpu.vector_load %swap3A_509[%swap3A_510, %swap3A_511] {strides = array<i32>} : memref<8x1024xf32, #tpu.memory_space<vmem>>, vector<1x16xf32>,
          %swap3A_513 = vector.shape_cast %swap3A_512 : vector<1x16xf32> to vector<16xf32>
          %swap3A_514 = vector.shape_cast %mul3A_506 : vector<16xf32> to vector<1x16xf32>
          tpu.vector_store %swap3A_509[%swap3A_510, %swap3A_511], %swap3A_514 {strides = array<i32>} : memref<8x1024xf32, #tpu.memory_space<vmem>>, vector<1x16xf32>,
          %scan3A_515 = arith.constant 1 : i32
          %scan3A_516 = arith.addi %scan3A_494, %scan3A_515 : i32
          %mul3A_517 = arith.constant 16 : i32
          %mul3A_518 = arith.muli %scan3A_516, %mul3A_517 : i32
          %get3A_519 = arith.constant 0 : i32
          %get3A_520 = arith.constant 0 : i32
          %get3A_521 = tpu.memref_slice %arg6[%rem3A_455, %get3A_519, %get3A_520] : memref<15x8x1024xf32, #tpu.memory_space<vmem>> -> memref<1x8x1024xf32, #tpu.memory_space<vmem>>
          %get3A_522 = tpu.memref_squeeze %get3A_521 : memref<1x8x1024xf32, #tpu.memory_space<vmem>> -> memref<8x1024xf32, #tpu.memory_space<vmem>>
          %get3A_523 = arith.index_cast %scan3A_488 : i32 to index
          %get3A_524 = arith.index_cast %mul3A_518 : i32 to index
          %get3A_525 = tpu.vector_load %get3A_522[%get3A_523, %get3A_524] {strides = array<i32>} : memref<8x1024xf32, #tpu.memory_space<vmem>>, vector<1x16xf32>,
          %get3A_526 = vector.shape_cast %get3A_525 : vector<1x16xf32> to vector<16xf32>
          %mul3A_527 = arith.constant 3.200000e+01 : f32
          %mul3A_528 = vector.broadcast %mul3A_527 : f32 to vector<16xf32>
          %mul3A_529 = arith.mulf %get3A_526, %mul3A_528 : vector<16xf32>
          %swap3A_530 = arith.constant 0 : i32
          %swap3A_531 = arith.constant 0 : i32
          %swap3A_532 = tpu.memref_slice %arg6[%rem3A_455, %swap3A_530, %swap3A_531] : memref<15x8x1024xf32, #tpu.memory_space<vmem>> -> memref<1x8x1024xf32, #tpu.memory_space<vmem>>
          %swap3A_533 = tpu.memref_squeeze %swap3A_532 : memref<1x8x1024xf32, #tpu.memory_space<vmem>> -> memref<8x1024xf32, #tpu.memory_space<vmem>>
          %swap3A_534 = arith.index_cast %scan3A_488 : i32 to index
          %swap3A_535 = arith.index_cast %mul3A_518 : i32 to index
          %swap3A_536 = tpu.vector_load %swap3A_533[%swap3A_534, %swap3A_535] {strides = array<i32>} : memref<8x1024xf32, #tpu.memory_space<vmem>>, vector<1x16xf32>,
          %swap3A_537 = vector.shape_cast %swap3A_536 : vector<1x16xf32> to vector<16xf32>
          %swap3A_538 = vector.shape_cast %mul3A_529 : vector<16xf32> to vector<1x16xf32>
          tpu.vector_store %swap3A_533[%swap3A_534, %swap3A_535], %swap3A_538 {strides = array<i32>} : memref<8x1024xf32, #tpu.memory_space<vmem>>, vector<1x16xf32>,
          %scan3A_539 = arith.constant 2 : i32
          %scan3A_540 = arith.addi %scan3A_494, %scan3A_539 : i32
          %mul3A_541 = arith.constant 16 : i32
          %mul3A_542 = arith.muli %scan3A_540, %mul3A_541 : i32
          %get3A_543 = arith.constant 0 : i32
          %get3A_544 = arith.constant 0 : i32
          %get3A_545 = tpu.memref_slice %arg6[%rem3A_455, %get3A_543, %get3A_544] : memref<15x8x1024xf32, #tpu.memory_space<vmem>> -> memref<1x8x1024xf32, #tpu.memory_space<vmem>>
          %get3A_546 = tpu.memref_squeeze %get3A_545 : memref<1x8x1024xf32, #tpu.memory_space<vmem>> -> memref<8x1024xf32, #tpu.memory_space<vmem>>
          %get3A_547 = arith.index_cast %scan3A_488 : i32 to index
          %get3A_548 = arith.index_cast %mul3A_542 : i32 to index
          %get3A_549 = tpu.vector_load %get3A_546[%get3A_547, %get3A_548] {strides = array<i32>} : memref<8x1024xf32, #tpu.memory_space<vmem>>, vector<1x16xf32>,
          %get3A_550 = vector.shape_cast %get3A_549 : vector<1x16xf32> to vector<16xf32>
          %mul3A_551 = arith.constant 3.200000e+01 : f32
          %mul3A_552 = vector.broadcast %mul3A_551 : f32 to vector<16xf32>
          %mul3A_553 = arith.mulf %get3A_550, %mul3A_552 : vector<16xf32>
          %swap3A_554 = arith.constant 0 : i32
          %swap3A_555 = arith.constant 0 : i32
          %swap3A_556 = tpu.memref_slice %arg6[%rem3A_455, %swap3A_554, %swap3A_555] : memref<15x8x1024xf32, #tpu.memory_space<vmem>> -> memref<1x8x1024xf32, #tpu.memory_space<vmem>>
          %swap3A_557 = tpu.memref_squeeze %swap3A_556 : memref<1x8x1024xf32, #tpu.memory_space<vmem>> -> memref<8x1024xf32, #tpu.memory_space<vmem>>
          %swap3A_558 = arith.index_cast %scan3A_488 : i32 to index
          %swap3A_559 = arith.index_cast %mul3A_542 : i32 to index
          %swap3A_560 = tpu.vector_load %swap3A_557[%swap3A_558, %swap3A_559] {strides = array<i32>} : memref<8x1024xf32, #tpu.memory_space<vmem>>, vector<1x16xf32>,
          %swap3A_561 = vector.shape_cast %swap3A_560 : vector<1x16xf32> to vector<16xf32>
          %swap3A_562 = vector.shape_cast %mul3A_553 : vector<16xf32> to vector<1x16xf32>
          tpu.vector_store %swap3A_557[%swap3A_558, %swap3A_559], %swap3A_562 {strides = array<i32>} : memref<8x1024xf32, #tpu.memory_space<vmem>>, vector<1x16xf32>,
          %scan3A_563 = arith.constant 3 : i32
          %scan3A_564 = arith.addi %scan3A_494, %scan3A_563 : i32
          %mul3A_565 = arith.constant 16 : i32
          %mul3A_566 = arith.muli %scan3A_564, %mul3A_565 : i32
          %get3A_567 = arith.constant 0 : i32
          %get3A_568 = arith.constant 0 : i32
          %get3A_569 = tpu.memref_slice %arg6[%rem3A_455, %get3A_567, %get3A_568] : memref<15x8x1024xf32, #tpu.memory_space<vmem>> -> memref<1x8x1024xf32, #tpu.memory_space<vmem>>
          %get3A_570 = tpu.memref_squeeze %get3A_569 : memref<1x8x1024xf32, #tpu.memory_space<vmem>> -> memref<8x1024xf32, #tpu.memory_space<vmem>>
          %get3A_571 = arith.index_cast %scan3A_488 : i32 to index
          %get3A_572 = arith.index_cast %mul3A_566 : i32 to index
          %get3A_573 = tpu.vector_load %get3A_570[%get3A_571, %get3A_572] {strides = array<i32>} : memref<8x1024xf32, #tpu.memory_space<vmem>>, vector<1x16xf32>,
          %get3A_574 = vector.shape_cast %get3A_573 : vector<1x16xf32> to vector<16xf32>
          %mul3A_575 = arith.constant 3.200000e+01 : f32
          %mul3A_576 = vector.broadcast %mul3A_575 : f32 to vector<16xf32>
          %mul3A_577 = arith.mulf %get3A_574, %mul3A_576 : vector<16xf32>
          %swap3A_578 = arith.constant 0 : i32
          %swap3A_579 = arith.constant 0 : i32
          %swap3A_580 = tpu.memref_slice %arg6[%rem3A_455, %swap3A_578, %swap3A_579] : memref<15x8x1024xf32, #tpu.memory_space<vmem>> -> memref<1x8x1024xf32, #tpu.memory_space<vmem>>
          %swap3A_581 = tpu.memref_squeeze %swap3A_580 : memref<1x8x1024xf32, #tpu.memory_space<vmem>> -> memref<8x1024xf32, #tpu.memory_space<vmem>>
          %swap3A_582 = arith.index_cast %scan3A_488 : i32 to index
          %swap3A_583 = arith.index_cast %mul3A_566 : i32 to index
          %swap3A_584 = tpu.vector_load %swap3A_581[%swap3A_582, %swap3A_583] {strides = array<i32>} : memref<8x1024xf32, #tpu.memory_space<vmem>>, vector<1x16xf32>,
          %swap3A_585 = vector.shape_cast %swap3A_584 : vector<1x16xf32> to vector<16xf32>
          %swap3A_586 = vector.shape_cast %mul3A_577 : vector<16xf32> to vector<1x16xf32>
          tpu.vector_store %swap3A_581[%swap3A_582, %swap3A_583], %swap3A_586 {strides = array<i32>} : memref<8x1024xf32, #tpu.memory_space<vmem>>, vector<1x16xf32>,
          %scan3A_587 = arith.constant 4 : i32
          %scan3A_588 = arith.addi %scan3A_494, %scan3A_587 : i32
          %mul3A_589 = arith.constant 16 : i32
          %mul3A_590 = arith.muli %scan3A_588, %mul3A_589 : i32
          %get3A_591 = arith.constant 0 : i32
          %get3A_592 = arith.constant 0 : i32
          %get3A_593 = tpu.memref_slice %arg6[%rem3A_455, %get3A_591, %get3A_592] : memref<15x8x1024xf32, #tpu.memory_space<vmem>> -> memref<1x8x1024xf32, #tpu.memory_space<vmem>>
          %get3A_594 = tpu.memref_squeeze %get3A_593 : memref<1x8x1024xf32, #tpu.memory_space<vmem>> -> memref<8x1024xf32, #tpu.memory_space<vmem>>
          %get3A_595 = arith.index_cast %scan3A_488 : i32 to index
          %get3A_596 = arith.index_cast %mul3A_590 : i32 to index
          %get3A_597 = tpu.vector_load %get3A_594[%get3A_595, %get3A_596] {strides = array<i32>} : memref<8x1024xf32, #tpu.memory_space<vmem>>, vector<1x16xf32>,
          %get3A_598 = vector.shape_cast %get3A_597 : vector<1x16xf32> to vector<16xf32>
          %mul3A_599 = arith.constant 3.200000e+01 : f32
          %mul3A_600 = vector.broadcast %mul3A_599 : f32 to vector<16xf32>
          %mul3A_601 = arith.mulf %get3A_598, %mul3A_600 : vector<16xf32>
          %swap3A_602 = arith.constant 0 : i32
          %swap3A_603 = arith.constant 0 : i32
          %swap3A_604 = tpu.memref_slice %arg6[%rem3A_455, %swap3A_602, %swap3A_603] : memref<15x8x1024xf32, #tpu.memory_space<vmem>> -> memref<1x8x1024xf32, #tpu.memory_space<vmem>>
          %swap3A_605 = tpu.memref_squeeze %swap3A_604 : memref<1x8x1024xf32, #tpu.memory_space<vmem>> -> memref<8x1024xf32, #tpu.memory_space<vmem>>
          %swap3A_606 = arith.index_cast %scan3A_488 : i32 to index
          %swap3A_607 = arith.index_cast %mul3A_590 : i32 to index
          %swap3A_608 = tpu.vector_load %swap3A_605[%swap3A_606, %swap3A_607] {strides = array<i32>} : memref<8x1024xf32, #tpu.memory_space<vmem>>, vector<1x16xf32>,
          %swap3A_609 = vector.shape_cast %swap3A_608 : vector<1x16xf32> to vector<16xf32>
          %swap3A_610 = vector.shape_cast %mul3A_601 : vector<16xf32> to vector<1x16xf32>
          tpu.vector_store %swap3A_605[%swap3A_606, %swap3A_607], %swap3A_610 {strides = array<i32>} : memref<8x1024xf32, #tpu.memory_space<vmem>>, vector<1x16xf32>,
          %scan3A_611 = arith.constant 5 : i32
          %scan3A_612 = arith.addi %scan3A_494, %scan3A_611 : i32
          %mul3A_613 = arith.constant 16 : i32
          %mul3A_614 = arith.muli %scan3A_612, %mul3A_613 : i32
          %get3A_615 = arith.constant 0 : i32
          %get3A_616 = arith.constant 0 : i32
          %get3A_617 = tpu.memref_slice %arg6[%rem3A_455, %get3A_615, %get3A_616] : memref<15x8x1024xf32, #tpu.memory_space<vmem>> -> memref<1x8x1024xf32, #tpu.memory_space<vmem>>
          %get3A_618 = tpu.memref_squeeze %get3A_617 : memref<1x8x1024xf32, #tpu.memory_space<vmem>> -> memref<8x1024xf32, #tpu.memory_space<vmem>>
          %get3A_619 = arith.index_cast %scan3A_488 : i32 to index
          %get3A_620 = arith.index_cast %mul3A_614 : i32 to index
          %get3A_621 = tpu.vector_load %get3A_618[%get3A_619, %get3A_620] {strides = array<i32>} : memref<8x1024xf32, #tpu.memory_space<vmem>>, vector<1x16xf32>,
          %get3A_622 = vector.shape_cast %get3A_621 : vector<1x16xf32> to vector<16xf32>
          %mul3A_623 = arith.constant 3.200000e+01 : f32
          %mul3A_624 = vector.broadcast %mul3A_623 : f32 to vector<16xf32>
          %mul3A_625 = arith.mulf %get3A_622, %mul3A_624 : vector<16xf32>
          %swap3A_626 = arith.constant 0 : i32
          %swap3A_627 = arith.constant 0 : i32
          %swap3A_628 = tpu.memref_slice %arg6[%rem3A_455, %swap3A_626, %swap3A_627] : memref<15x8x1024xf32, #tpu.memory_space<vmem>> -> memref<1x8x1024xf32, #tpu.memory_space<vmem>>
          %swap3A_629 = tpu.memref_squeeze %swap3A_628 : memref<1x8x1024xf32, #tpu.memory_space<vmem>> -> memref<8x1024xf32, #tpu.memory_space<vmem>>
          %swap3A_630 = arith.index_cast %scan3A_488 : i32 to index
          %swap3A_631 = arith.index_cast %mul3A_614 : i32 to index
          %swap3A_632 = tpu.vector_load %swap3A_629[%swap3A_630, %swap3A_631] {strides = array<i32>} : memref<8x1024xf32, #tpu.memory_space<vmem>>, vector<1x16xf32>,
          %swap3A_633 = vector.shape_cast %swap3A_632 : vector<1x16xf32> to vector<16xf32>
          %swap3A_634 = vector.shape_cast %mul3A_625 : vector<16xf32> to vector<1x16xf32>
          tpu.vector_store %swap3A_629[%swap3A_630, %swap3A_631], %swap3A_634 {strides = array<i32>} : memref<8x1024xf32, #tpu.memory_space<vmem>>, vector<1x16xf32>,
          %scan3A_635 = arith.constant 6 : i32
          %scan3A_636 = arith.addi %scan3A_494, %scan3A_635 : i32
          %mul3A_637 = arith.constant 16 : i32
          %mul3A_638 = arith.muli %scan3A_636, %mul3A_637 : i32
          %get3A_639 = arith.constant 0 : i32
          %get3A_640 = arith.constant 0 : i32
          %get3A_641 = tpu.memref_slice %arg6[%rem3A_455, %get3A_639, %get3A_640] : memref<15x8x1024xf32, #tpu.memory_space<vmem>> -> memref<1x8x1024xf32, #tpu.memory_space<vmem>>
          %get3A_642 = tpu.memref_squeeze %get3A_641 : memref<1x8x1024xf32, #tpu.memory_space<vmem>> -> memref<8x1024xf32, #tpu.memory_space<vmem>>
          %get3A_643 = arith.index_cast %scan3A_488 : i32 to index
          %get3A_644 = arith.index_cast %mul3A_638 : i32 to index
          %get3A_645 = tpu.vector_load %get3A_642[%get3A_643, %get3A_644] {strides = array<i32>} : memref<8x1024xf32, #tpu.memory_space<vmem>>, vector<1x16xf32>,
          %get3A_646 = vector.shape_cast %get3A_645 : vector<1x16xf32> to vector<16xf32>
          %mul3A_647 = arith.constant 3.200000e+01 : f32
          %mul3A_648 = vector.broadcast %mul3A_647 : f32 to vector<16xf32>
          %mul3A_649 = arith.mulf %get3A_646, %mul3A_648 : vector<16xf32>
          %swap3A_650 = arith.constant 0 : i32
          %swap3A_651 = arith.constant 0 : i32
          %swap3A_652 = tpu.memref_slice %arg6[%rem3A_455, %swap3A_650, %swap3A_651] : memref<15x8x1024xf32, #tpu.memory_space<vmem>> -> memref<1x8x1024xf32, #tpu.memory_space<vmem>>
          %swap3A_653 = tpu.memref_squeeze %swap3A_652 : memref<1x8x1024xf32, #tpu.memory_space<vmem>> -> memref<8x1024xf32, #tpu.memory_space<vmem>>
          %swap3A_654 = arith.index_cast %scan3A_488 : i32 to index
          %swap3A_655 = arith.index_cast %mul3A_638 : i32 to index
          %swap3A_656 = tpu.vector_load %swap3A_653[%swap3A_654, %swap3A_655] {strides = array<i32>} : memref<8x1024xf32, #tpu.memory_space<vmem>>, vector<1x16xf32>,
          %swap3A_657 = vector.shape_cast %swap3A_656 : vector<1x16xf32> to vector<16xf32>
          %swap3A_658 = vector.shape_cast %mul3A_649 : vector<16xf32> to vector<1x16xf32>
          tpu.vector_store %swap3A_653[%swap3A_654, %swap3A_655], %swap3A_658 {strides = array<i32>} : memref<8x1024xf32, #tpu.memory_space<vmem>>, vector<1x16xf32>,
          %scan3A_659 = arith.constant 7 : i32
          %scan3A_660 = arith.addi %scan3A_494, %scan3A_659 : i32
          %mul3A_661 = arith.constant 16 : i32
          %mul3A_662 = arith.muli %scan3A_660, %mul3A_661 : i32
          %get3A_663 = arith.constant 0 : i32
          %get3A_664 = arith.constant 0 : i32
          %get3A_665 = tpu.memref_slice %arg6[%rem3A_455, %get3A_663, %get3A_664] : memref<15x8x1024xf32, #tpu.memory_space<vmem>> -> memref<1x8x1024xf32, #tpu.memory_space<vmem>>
          %get3A_666 = tpu.memref_squeeze %get3A_665 : memref<1x8x1024xf32, #tpu.memory_space<vmem>> -> memref<8x1024xf32, #tpu.memory_space<vmem>>
          %get3A_667 = arith.index_cast %scan3A_488 : i32 to index
          %get3A_668 = arith.index_cast %mul3A_662 : i32 to index
          %get3A_669 = tpu.vector_load %get3A_666[%get3A_667, %get3A_668] {strides = array<i32>} : memref<8x1024xf32, #tpu.memory_space<vmem>>, vector<1x16xf32>,
          %get3A_670 = vector.shape_cast %get3A_669 : vector<1x16xf32> to vector<16xf32>
          %mul3A_671 = arith.constant 3.200000e+01 : f32
          %mul3A_672 = vector.broadcast %mul3A_671 : f32 to vector<16xf32>
          %mul3A_673 = arith.mulf %get3A_670, %mul3A_672 : vector<16xf32>
          %swap3A_674 = arith.constant 0 : i32
          %swap3A_675 = arith.constant 0 : i32
          %swap3A_676 = tpu.memref_slice %arg6[%rem3A_455, %swap3A_674, %swap3A_675] : memref<15x8x1024xf32, #tpu.memory_space<vmem>> -> memref<1x8x1024xf32, #tpu.memory_space<vmem>>
          %swap3A_677 = tpu.memref_squeeze %swap3A_676 : memref<1x8x1024xf32, #tpu.memory_space<vmem>> -> memref<8x1024xf32, #tpu.memory_space<vmem>>
          %swap3A_678 = arith.index_cast %scan3A_488 : i32 to index
          %swap3A_679 = arith.index_cast %mul3A_662 : i32 to index
          %swap3A_680 = tpu.vector_load %swap3A_677[%swap3A_678, %swap3A_679] {strides = array<i32>} : memref<8x1024xf32, #tpu.memory_space<vmem>>, vector<1x16xf32>,
          %swap3A_681 = vector.shape_cast %swap3A_680 : vector<1x16xf32> to vector<16xf32>
          %swap3A_682 = vector.shape_cast %mul3A_673 : vector<16xf32> to vector<1x16xf32>
          tpu.vector_store %swap3A_677[%swap3A_678, %swap3A_679], %swap3A_682 {strides = array<i32>} : memref<8x1024xf32, #tpu.memory_space<vmem>>, vector<1x16xf32>,
          %scan3A_683 = arith.constant 8 : i32
          %scan3A_684 = arith.addi %scan3A_494, %scan3A_683 : i32
          %mul3A_685 = arith.constant 16 : i32
          %mul3A_686 = arith.muli %scan3A_684, %mul3A_685 : i32
          %get3A_687 = arith.constant 0 : i32
          %get3A_688 = arith.constant 0 : i32
          %get3A_689 = tpu.memref_slice %arg6[%rem3A_455, %get3A_687, %get3A_688] : memref<15x8x1024xf32, #tpu.memory_space<vmem>> -> memref<1x8x1024xf32, #tpu.memory_space<vmem>>
          %get3A_690 = tpu.memref_squeeze %get3A_689 : memref<1x8x1024xf32, #tpu.memory_space<vmem>> -> memref<8x1024xf32, #tpu.memory_space<vmem>>
          %get3A_691 = arith.index_cast %scan3A_488 : i32 to index
          %get3A_692 = arith.index_cast %mul3A_686 : i32 to index
          %get3A_693 = tpu.vector_load %get3A_690[%get3A_691, %get3A_692] {strides = array<i32>} : memref<8x1024xf32, #tpu.memory_space<vmem>>, vector<1x16xf32>,
          %get3A_694 = vector.shape_cast %get3A_693 : vector<1x16xf32> to vector<16xf32>
          %mul3A_695 = arith.constant 3.200000e+01 : f32
          %mul3A_696 = vector.broadcast %mul3A_695 : f32 to vector<16xf32>
          %mul3A_697 = arith.mulf %get3A_694, %mul3A_696 : vector<16xf32>
          %swap3A_698 = arith.constant 0 : i32
          %swap3A_699 = arith.constant 0 : i32
          %swap3A_700 = tpu.memref_slice %arg6[%rem3A_455, %swap3A_698, %swap3A_699] : memref<15x8x1024xf32, #tpu.memory_space<vmem>> -> memref<1x8x1024xf32, #tpu.memory_space<vmem>>
          %swap3A_701 = tpu.memref_squeeze %swap3A_700 : memref<1x8x1024xf32, #tpu.memory_space<vmem>> -> memref<8x1024xf32, #tpu.memory_space<vmem>>
          %swap3A_702 = arith.index_cast %scan3A_488 : i32 to index
          %swap3A_703 = arith.index_cast %mul3A_686 : i32 to index
          %swap3A_704 = tpu.vector_load %swap3A_701[%swap3A_702, %swap3A_703] {strides = array<i32>} : memref<8x1024xf32, #tpu.memory_space<vmem>>, vector<1x16xf32>,
          %swap3A_705 = vector.shape_cast %swap3A_704 : vector<1x16xf32> to vector<16xf32>
          %swap3A_706 = vector.shape_cast %mul3A_697 : vector<16xf32> to vector<1x16xf32>
          tpu.vector_store %swap3A_701[%swap3A_702, %swap3A_703], %swap3A_706 {strides = array<i32>} : memref<8x1024xf32, #tpu.memory_space<vmem>>, vector<1x16xf32>,
          %scan3A_707 = arith.constant 9 : i32
          %scan3A_708 = arith.addi %scan3A_494, %scan3A_707 : i32
          %mul3A_709 = arith.constant 16 : i32
          %mul3A_710 = arith.muli %scan3A_708, %mul3A_709 : i32
          %get3A_711 = arith.constant 0 : i32
          %get3A_712 = arith.constant 0 : i32
          %get3A_713 = tpu.memref_slice %arg6[%rem3A_455, %get3A_711, %get3A_712] : memref<15x8x1024xf32, #tpu.memory_space<vmem>> -> memref<1x8x1024xf32, #tpu.memory_space<vmem>>
          %get3A_714 = tpu.memref_squeeze %get3A_713 : memref<1x8x1024xf32, #tpu.memory_space<vmem>> -> memref<8x1024xf32, #tpu.memory_space<vmem>>
          %get3A_715 = arith.index_cast %scan3A_488 : i32 to index
          %get3A_716 = arith.index_cast %mul3A_710 : i32 to index
          %get3A_717 = tpu.vector_load %get3A_714[%get3A_715, %get3A_716] {strides = array<i32>} : memref<8x1024xf32, #tpu.memory_space<vmem>>, vector<1x16xf32>,
          %get3A_718 = vector.shape_cast %get3A_717 : vector<1x16xf32> to vector<16xf32>
          %mul3A_719 = arith.constant 3.200000e+01 : f32
          %mul3A_720 = vector.broadcast %mul3A_719 : f32 to vector<16xf32>
          %mul3A_721 = arith.mulf %get3A_718, %mul3A_720 : vector<16xf32>
          %swap3A_722 = arith.constant 0 : i32
          %swap3A_723 = arith.constant 0 : i32
          %swap3A_724 = tpu.memref_slice %arg6[%rem3A_455, %swap3A_722, %swap3A_723] : memref<15x8x1024xf32, #tpu.memory_space<vmem>> -> memref<1x8x1024xf32, #tpu.memory_space<vmem>>
          %swap3A_725 = tpu.memref_squeeze %swap3A_724 : memref<1x8x1024xf32, #tpu.memory_space<vmem>> -> memref<8x1024xf32, #tpu.memory_space<vmem>>
          %swap3A_726 = arith.index_cast %scan3A_488 : i32 to index
          %swap3A_727 = arith.index_cast %mul3A_710 : i32 to index
          %swap3A_728 = tpu.vector_load %swap3A_725[%swap3A_726, %swap3A_727] {strides = array<i32>} : memref<8x1024xf32, #tpu.memory_space<vmem>>, vector<1x16xf32>,
          %swap3A_729 = vector.shape_cast %swap3A_728 : vector<1x16xf32> to vector<16xf32>
          %swap3A_730 = vector.shape_cast %mul3A_721 : vector<16xf32> to vector<1x16xf32>
          tpu.vector_store %swap3A_725[%swap3A_726, %swap3A_727], %swap3A_730 {strides = array<i32>} : memref<8x1024xf32, #tpu.memory_space<vmem>>, vector<1x16xf32>,
          %scan3A_731 = arith.constant 10 : i32
          %scan3A_732 = arith.addi %scan3A_494, %scan3A_731 : i32
          %mul3A_733 = arith.constant 16 : i32
          %mul3A_734 = arith.muli %scan3A_732, %mul3A_733 : i32
          %get3A_735 = arith.constant 0 : i32
          %get3A_736 = arith.constant 0 : i32
          %get3A_737 = tpu.memref_slice %arg6[%rem3A_455, %get3A_735, %get3A_736] : memref<15x8x1024xf32, #tpu.memory_space<vmem>> -> memref<1x8x1024xf32, #tpu.memory_space<vmem>>
          %get3A_738 = tpu.memref_squeeze %get3A_737 : memref<1x8x1024xf32, #tpu.memory_space<vmem>> -> memref<8x1024xf32, #tpu.memory_space<vmem>>
          %get3A_739 = arith.index_cast %scan3A_488 : i32 to index
          %get3A_740 = arith.index_cast %mul3A_734 : i32 to index
          %get3A_741 = tpu.vector_load %get3A_738[%get3A_739, %get3A_740] {strides = array<i32>} : memref<8x1024xf32, #tpu.memory_space<vmem>>, vector<1x16xf32>,
          %get3A_742 = vector.shape_cast %get3A_741 : vector<1x16xf32> to vector<16xf32>
          %mul3A_743 = arith.constant 3.200000e+01 : f32
          %mul3A_744 = vector.broadcast %mul3A_743 : f32 to vector<16xf32>
          %mul3A_745 = arith.mulf %get3A_742, %mul3A_744 : vector<16xf32>
          %swap3A_746 = arith.constant 0 : i32
          %swap3A_747 = arith.constant 0 : i32
          %swap3A_748 = tpu.memref_slice %arg6[%rem3A_455, %swap3A_746, %swap3A_747] : memref<15x8x1024xf32, #tpu.memory_space<vmem>> -> memref<1x8x1024xf32, #tpu.memory_space<vmem>>
          %swap3A_749 = tpu.memref_squeeze %swap3A_748 : memref<1x8x1024xf32, #tpu.memory_space<vmem>> -> memref<8x1024xf32, #tpu.memory_space<vmem>>
          %swap3A_750 = arith.index_cast %scan3A_488 : i32 to index
          %swap3A_751 = arith.index_cast %mul3A_734 : i32 to index
          %swap3A_752 = tpu.vector_load %swap3A_749[%swap3A_750, %swap3A_751] {strides = array<i32>} : memref<8x1024xf32, #tpu.memory_space<vmem>>, vector<1x16xf32>,
          %swap3A_753 = vector.shape_cast %swap3A_752 : vector<1x16xf32> to vector<16xf32>
          %swap3A_754 = vector.shape_cast %mul3A_745 : vector<16xf32> to vector<1x16xf32>
          tpu.vector_store %swap3A_749[%swap3A_750, %swap3A_751], %swap3A_754 {strides = array<i32>} : memref<8x1024xf32, #tpu.memory_space<vmem>>, vector<1x16xf32>,
          %scan3A_755 = arith.constant 11 : i32
          %scan3A_756 = arith.addi %scan3A_494, %scan3A_755 : i32
          %mul3A_757 = arith.constant 16 : i32
          %mul3A_758 = arith.muli %scan3A_756, %mul3A_757 : i32
          %get3A_759 = arith.constant 0 : i32
          %get3A_760 = arith.constant 0 : i32
          %get3A_761 = tpu.memref_slice %arg6[%rem3A_455, %get3A_759, %get3A_760] : memref<15x8x1024xf32, #tpu.memory_space<vmem>> -> memref<1x8x1024xf32, #tpu.memory_space<vmem>>
          %get3A_762 = tpu.memref_squeeze %get3A_761 : memref<1x8x1024xf32, #tpu.memory_space<vmem>> -> memref<8x1024xf32, #tpu.memory_space<vmem>>
          %get3A_763 = arith.index_cast %scan3A_488 : i32 to index
          %get3A_764 = arith.index_cast %mul3A_758 : i32 to index
          %get3A_765 = tpu.vector_load %get3A_762[%get3A_763, %get3A_764] {strides = array<i32>} : memref<8x1024xf32, #tpu.memory_space<vmem>>, vector<1x16xf32>,
          %get3A_766 = vector.shape_cast %get3A_765 : vector<1x16xf32> to vector<16xf32>
          %mul3A_767 = arith.constant 3.200000e+01 : f32
          %mul3A_768 = vector.broadcast %mul3A_767 : f32 to vector<16xf32>
          %mul3A_769 = arith.mulf %get3A_766, %mul3A_768 : vector<16xf32>
          %swap3A_770 = arith.constant 0 : i32
          %swap3A_771 = arith.constant 0 : i32
          %swap3A_772 = tpu.memref_slice %arg6[%rem3A_455, %swap3A_770, %swap3A_771] : memref<15x8x1024xf32, #tpu.memory_space<vmem>> -> memref<1x8x1024xf32, #tpu.memory_space<vmem>>
          %swap3A_773 = tpu.memref_squeeze %swap3A_772 : memref<1x8x1024xf32, #tpu.memory_space<vmem>> -> memref<8x1024xf32, #tpu.memory_space<vmem>>
          %swap3A_774 = arith.index_cast %scan3A_488 : i32 to index
          %swap3A_775 = arith.index_cast %mul3A_758 : i32 to index
          %swap3A_776 = tpu.vector_load %swap3A_773[%swap3A_774, %swap3A_775] {strides = array<i32>} : memref<8x1024xf32, #tpu.memory_space<vmem>>, vector<1x16xf32>,
          %swap3A_777 = vector.shape_cast %swap3A_776 : vector<1x16xf32> to vector<16xf32>
          %swap3A_778 = vector.shape_cast %mul3A_769 : vector<16xf32> to vector<1x16xf32>
          tpu.vector_store %swap3A_773[%swap3A_774, %swap3A_775], %swap3A_778 {strides = array<i32>} : memref<8x1024xf32, #tpu.memory_space<vmem>>, vector<1x16xf32>,
          %scan3A_779 = arith.constant 12 : i32
          %scan3A_780 = arith.addi %scan3A_494, %scan3A_779 : i32
          %mul3A_781 = arith.constant 16 : i32
          %mul3A_782 = arith.muli %scan3A_780, %mul3A_781 : i32
          %get3A_783 = arith.constant 0 : i32
          %get3A_784 = arith.constant 0 : i32
          %get3A_785 = tpu.memref_slice %arg6[%rem3A_455, %get3A_783, %get3A_784] : memref<15x8x1024xf32, #tpu.memory_space<vmem>> -> memref<1x8x1024xf32, #tpu.memory_space<vmem>>
          %get3A_786 = tpu.memref_squeeze %get3A_785 : memref<1x8x1024xf32, #tpu.memory_space<vmem>> -> memref<8x1024xf32, #tpu.memory_space<vmem>>
          %get3A_787 = arith.index_cast %scan3A_488 : i32 to index
          %get3A_788 = arith.index_cast %mul3A_782 : i32 to index
          %get3A_789 = tpu.vector_load %get3A_786[%get3A_787, %get3A_788] {strides = array<i32>} : memref<8x1024xf32, #tpu.memory_space<vmem>>, vector<1x16xf32>,
          %get3A_790 = vector.shape_cast %get3A_789 : vector<1x16xf32> to vector<16xf32>
          %mul3A_791 = arith.constant 3.200000e+01 : f32
          %mul3A_792 = vector.broadcast %mul3A_791 : f32 to vector<16xf32>
          %mul3A_793 = arith.mulf %get3A_790, %mul3A_792 : vector<16xf32>
          %swap3A_794 = arith.constant 0 : i32
          %swap3A_795 = arith.constant 0 : i32
          %swap3A_796 = tpu.memref_slice %arg6[%rem3A_455, %swap3A_794, %swap3A_795] : memref<15x8x1024xf32, #tpu.memory_space<vmem>> -> memref<1x8x1024xf32, #tpu.memory_space<vmem>>
          %swap3A_797 = tpu.memref_squeeze %swap3A_796 : memref<1x8x1024xf32, #tpu.memory_space<vmem>> -> memref<8x1024xf32, #tpu.memory_space<vmem>>
          %swap3A_798 = arith.index_cast %scan3A_488 : i32 to index
          %swap3A_799 = arith.index_cast %mul3A_782 : i32 to index
          %swap3A_800 = tpu.vector_load %swap3A_797[%swap3A_798, %swap3A_799] {strides = array<i32>} : memref<8x1024xf32, #tpu.memory_space<vmem>>, vector<1x16xf32>,
          %swap3A_801 = vector.shape_cast %swap3A_800 : vector<1x16xf32> to vector<16xf32>
          %swap3A_802 = vector.shape_cast %mul3A_793 : vector<16xf32> to vector<1x16xf32>
          tpu.vector_store %swap3A_797[%swap3A_798, %swap3A_799], %swap3A_802 {strides = array<i32>} : memref<8x1024xf32, #tpu.memory_space<vmem>>, vector<1x16xf32>,
          %scan3A_803 = arith.constant 13 : i32
          %scan3A_804 = arith.addi %scan3A_494, %scan3A_803 : i32
          %mul3A_805 = arith.constant 16 : i32
          %mul3A_806 = arith.muli %scan3A_804, %mul3A_805 : i32
          %get3A_807 = arith.constant 0 : i32
          %get3A_808 = arith.constant 0 : i32
          %get3A_809 = tpu.memref_slice %arg6[%rem3A_455, %get3A_807, %get3A_808] : memref<15x8x1024xf32, #tpu.memory_space<vmem>> -> memref<1x8x1024xf32, #tpu.memory_space<vmem>>
          %get3A_810 = tpu.memref_squeeze %get3A_809 : memref<1x8x1024xf32, #tpu.memory_space<vmem>> -> memref<8x1024xf32, #tpu.memory_space<vmem>>
          %get3A_811 = arith.index_cast %scan3A_488 : i32 to index
          %get3A_812 = arith.index_cast %mul3A_806 : i32 to index
          %get3A_813 = tpu.vector_load %get3A_810[%get3A_811, %get3A_812] {strides = array<i32>} : memref<8x1024xf32, #tpu.memory_space<vmem>>, vector<1x16xf32>,
          %get3A_814 = vector.shape_cast %get3A_813 : vector<1x16xf32> to vector<16xf32>
          %mul3A_815 = arith.constant 3.200000e+01 : f32
          %mul3A_816 = vector.broadcast %mul3A_815 : f32 to vector<16xf32>
          %mul3A_817 = arith.mulf %get3A_814, %mul3A_816 : vector<16xf32>
          %swap3A_818 = arith.constant 0 : i32
          %swap3A_819 = arith.constant 0 : i32
          %swap3A_820 = tpu.memref_slice %arg6[%rem3A_455, %swap3A_818, %swap3A_819] : memref<15x8x1024xf32, #tpu.memory_space<vmem>> -> memref<1x8x1024xf32, #tpu.memory_space<vmem>>
          %swap3A_821 = tpu.memref_squeeze %swap3A_820 : memref<1x8x1024xf32, #tpu.memory_space<vmem>> -> memref<8x1024xf32, #tpu.memory_space<vmem>>
          %swap3A_822 = arith.index_cast %scan3A_488 : i32 to index
          %swap3A_823 = arith.index_cast %mul3A_806 : i32 to index
          %swap3A_824 = tpu.vector_load %swap3A_821[%swap3A_822, %swap3A_823] {strides = array<i32>} : memref<8x1024xf32, #tpu.memory_space<vmem>>, vector<1x16xf32>,
          %swap3A_825 = vector.shape_cast %swap3A_824 : vector<1x16xf32> to vector<16xf32>
          %swap3A_826 = vector.shape_cast %mul3A_817 : vector<16xf32> to vector<1x16xf32>
          tpu.vector_store %swap3A_821[%swap3A_822, %swap3A_823], %swap3A_826 {strides = array<i32>} : memref<8x1024xf32, #tpu.memory_space<vmem>>, vector<1x16xf32>,
          %scan3A_827 = arith.constant 14 : i32
          %scan3A_828 = arith.addi %scan3A_494, %scan3A_827 : i32
          %mul3A_829 = arith.constant 16 : i32
          %mul3A_830 = arith.muli %scan3A_828, %mul3A_829 : i32
          %get3A_831 = arith.constant 0 : i32
          %get3A_832 = arith.constant 0 : i32
          %get3A_833 = tpu.memref_slice %arg6[%rem3A_455, %get3A_831, %get3A_832] : memref<15x8x1024xf32, #tpu.memory_space<vmem>> -> memref<1x8x1024xf32, #tpu.memory_space<vmem>>
          %get3A_834 = tpu.memref_squeeze %get3A_833 : memref<1x8x1024xf32, #tpu.memory_space<vmem>> -> memref<8x1024xf32, #tpu.memory_space<vmem>>
          %get3A_835 = arith.index_cast %scan3A_488 : i32 to index
          %get3A_836 = arith.index_cast %mul3A_830 : i32 to index
          %get3A_837 = tpu.vector_load %get3A_834[%get3A_835, %get3A_836] {strides = array<i32>} : memref<8x1024xf32, #tpu.memory_space<vmem>>, vector<1x16xf32>,
          %get3A_838 = vector.shape_cast %get3A_837 : vector<1x16xf32> to vector<16xf32>
          %mul3A_839 = arith.constant 3.200000e+01 : f32
          %mul3A_840 = vector.broadcast %mul3A_839 : f32 to vector<16xf32>
          %mul3A_841 = arith.mulf %get3A_838, %mul3A_840 : vector<16xf32>
          %swap3A_842 = arith.constant 0 : i32
          %swap3A_843 = arith.constant 0 : i32
          %swap3A_844 = tpu.memref_slice %arg6[%rem3A_455, %swap3A_842, %swap3A_843] : memref<15x8x1024xf32, #tpu.memory_space<vmem>> -> memref<1x8x1024xf32, #tpu.memory_space<vmem>>
          %swap3A_845 = tpu.memref_squeeze %swap3A_844 : memref<1x8x1024xf32, #tpu.memory_space<vmem>> -> memref<8x1024xf32, #tpu.memory_space<vmem>>
          %swap3A_846 = arith.index_cast %scan3A_488 : i32 to index
          %swap3A_847 = arith.index_cast %mul3A_830 : i32 to index
          %swap3A_848 = tpu.vector_load %swap3A_845[%swap3A_846, %swap3A_847] {strides = array<i32>} : memref<8x1024xf32, #tpu.memory_space<vmem>>, vector<1x16xf32>,
          %swap3A_849 = vector.shape_cast %swap3A_848 : vector<1x16xf32> to vector<16xf32>
          %swap3A_850 = vector.shape_cast %mul3A_841 : vector<16xf32> to vector<1x16xf32>
          tpu.vector_store %swap3A_845[%swap3A_846, %swap3A_847], %swap3A_850 {strides = array<i32>} : memref<8x1024xf32, #tpu.memory_space<vmem>>, vector<1x16xf32>,
          %scan3A_851 = arith.constant 15 : i32
          %scan3A_852 = arith.addi %scan3A_494, %scan3A_851 : i32
          %mul3A_853 = arith.constant 16 : i32
          %mul3A_854 = arith.muli %scan3A_852, %mul3A_853 : i32
          %get3A_855 = arith.constant 0 : i32
          %get3A_856 = arith.constant 0 : i32
          %get3A_857 = tpu.memref_slice %arg6[%rem3A_455, %get3A_855, %get3A_856] : memref<15x8x1024xf32, #tpu.memory_space<vmem>> -> memref<1x8x1024xf32, #tpu.memory_space<vmem>>
          %get3A_858 = tpu.memref_squeeze %get3A_857 : memref<1x8x1024xf32, #tpu.memory_space<vmem>> -> memref<8x1024xf32, #tpu.memory_space<vmem>>
          %get3A_859 = arith.index_cast %scan3A_488 : i32 to index
          %get3A_860 = arith.index_cast %mul3A_854 : i32 to index
          %get3A_861 = tpu.vector_load %get3A_858[%get3A_859, %get3A_860] {strides = array<i32>} : memref<8x1024xf32, #tpu.memory_space<vmem>>, vector<1x16xf32>,
          %get3A_862 = vector.shape_cast %get3A_861 : vector<1x16xf32> to vector<16xf32>
          %mul3A_863 = arith.constant 3.200000e+01 : f32
          %mul3A_864 = vector.broadcast %mul3A_863 : f32 to vector<16xf32>
          %mul3A_865 = arith.mulf %get3A_862, %mul3A_864 : vector<16xf32>
          %swap3A_866 = arith.constant 0 : i32
          %swap3A_867 = arith.constant 0 : i32
          %swap3A_868 = tpu.memref_slice %arg6[%rem3A_455, %swap3A_866, %swap3A_867] : memref<15x8x1024xf32, #tpu.memory_space<vmem>> -> memref<1x8x1024xf32, #tpu.memory_space<vmem>>
          %swap3A_869 = tpu.memref_squeeze %swap3A_868 : memref<1x8x1024xf32, #tpu.memory_space<vmem>> -> memref<8x1024xf32, #tpu.memory_space<vmem>>
          %swap3A_870 = arith.index_cast %scan3A_488 : i32 to index
          %swap3A_871 = arith.index_cast %mul3A_854 : i32 to index
          %swap3A_872 = tpu.vector_load %swap3A_869[%swap3A_870, %swap3A_871] {strides = array<i32>} : memref<8x1024xf32, #tpu.memory_space<vmem>>, vector<1x16xf32>,
          %swap3A_873 = vector.shape_cast %swap3A_872 : vector<1x16xf32> to vector<16xf32>
          %swap3A_874 = vector.shape_cast %mul3A_865 : vector<16xf32> to vector<1x16xf32>
          tpu.vector_store %swap3A_869[%swap3A_870, %swap3A_871], %swap3A_874 {strides = array<i32>} : memref<8x1024xf32, #tpu.memory_space<vmem>>, vector<1x16xf32>,
        }
        %scan3A_493 = arith.constant 64 : i32
      }
      %scan3A_471 = arith.constant 8 : i32
      %dma_start3A_472 = arith.constant 0 : i32
      %dma_start3A_473 = arith.constant 0 : i32
      %dma_start3A_474 = tpu.memref_slice %arg6[%rem3A_455, %dma_start3A_472, %dma_start3A_473] : memref<15x8x1024xf32, #tpu.memory_space<vmem>> -> memref<1x8x1024xf32, #tpu.memory_space<vmem>>
      %dma_start3A_475 = tpu.memref_squeeze %dma_start3A_474 : memref<1x8x1024xf32, #tpu.memory_space<vmem>> -> memref<8x1024xf32, #tpu.memory_space<vmem>>
      %dma_start3A_476 = arith.constant 0 : i32
      %dma_start3A_477 = arith.constant 0 : i32
      %dma_start3A_478 = tpu.memref_slice %arg4[%add3A, %scan3A_446, %dma_start3A_476, %dma_start3A_477] : memref<32x64x8x1024xf32, #tpu.memory_space<hbm>> -> memref<1x1x8x1024xf32, #tpu.memory_space<hbm>>
      %dma_start3A_479 = tpu.memref_squeeze %dma_start3A_478 : memref<1x1x8x1024xf32, #tpu.memory_space<hbm>> -> memref<8x1024xf32, #tpu.memory_space<hbm>>
      %dma_start3A_480 = arith.constant 0 : i32
      %dma_start3A_481 = arith.constant 0 : i32
      %dma_start3A_482 = tpu.memref_slice %arg4[%add3A, %scan3A_446, %dma_start3A_480, %dma_start3A_481] : memref<32x64x8x1024xf32, #tpu.memory_space<hbm>> -> memref<1x1x8x1024xf32, #tpu.memory_space<hbm>>
      %dma_start3A_483 = tpu.memref_squeeze %dma_start3A_482 : memref<1x1x8x1024xf32, #tpu.memory_space<hbm>> -> memref<8x1024xf32, #tpu.memory_space<hbm>>
      %dma_start3A_484 = arith.constant 0 : i32
      %dma_start3A_485 = arith.constant 0 : i32
      %dma_start3A_486 = tpu.memref_slice %arg6[%rem3A_455, %dma_start3A_484, %dma_start3A_485] : memref<15x8x1024xf32, #tpu.memory_space<vmem>> -> memref<1x8x1024xf32, #tpu.memory_space<vmem>>
      %dma_start3A_487 = tpu.memref_squeeze %dma_start3A_486 : memref<1x8x1024xf32, #tpu.memory_space<vmem>> -> memref<8x1024xf32, #tpu.memory_space<vmem>>
      tpu.enqueue_dma source(%dma_start3A_487 : memref<8x1024xf32, #tpu.memory_space<vmem>>) target(%dma_start3A_483 : memref<8x1024xf32, #tpu.memory_space<hbm>>) target_semaphore(%arg8 : memref<!tpu.dma_semaphore, #tpu.memory_space<semaphore_mem>>)
    }
    %scan3A_176 = arith.constant 64 : i32
    %dma_wait3A = arith.constant 0 : i32
    %dma_wait3A_177 = arith.constant 0 : i32
    %dma_wait3A_178 = arith.constant 0 : i32
    %dma_wait3A_179 = arith.constant 0 : i32
    %dma_wait3A_180 = tpu.memref_slice %arg6[%dma_wait3A, %dma_wait3A_178, %dma_wait3A_179] : memref<15x8x1024xf32, #tpu.memory_space<vmem>> -> memref<1x8x1024xf32, #tpu.memory_space<vmem>>
    %dma_wait3A_181 = tpu.memref_squeeze %dma_wait3A_180 : memref<1x8x1024xf32, #tpu.memory_space<vmem>> -> memref<8x1024xf32, #tpu.memory_space<vmem>>
    %dma_wait3A_182 = arith.constant 0 : i32
    %dma_wait3A_183 = arith.constant 0 : i32
    %dma_wait3A_184 = tpu.memref_slice %arg4[%add3A, %dma_wait3A_177, %dma_wait3A_182, %dma_wait3A_183] : memref<32x64x8x1024xf32, #tpu.memory_space<hbm>> -> memref<1x1x8x1024xf32, #tpu.memory_space<hbm>>
    %dma_wait3A_185 = tpu.memref_squeeze %dma_wait3A_184 : memref<1x1x8x1024xf32, #tpu.memory_space<hbm>> -> memref<8x1024xf32, #tpu.memory_space<hbm>>
    %dma_wait3A_186 = arith.constant 0 : i32
    %dma_wait3A_187 = arith.constant 0 : i32
    %dma_wait3A_188 = tpu.memref_slice %arg4[%add3A, %dma_wait3A_177, %dma_wait3A_186, %dma_wait3A_187] : memref<32x64x8x1024xf32, #tpu.memory_space<hbm>> -> memref<1x1x8x1024xf32, #tpu.memory_space<hbm>>
    %dma_wait3A_189 = tpu.memref_squeeze %dma_wait3A_188 : memref<1x1x8x1024xf32, #tpu.memory_space<hbm>> -> memref<8x1024xf32, #tpu.memory_space<hbm>>
    %dma_wait3A_190 = arith.constant 0 : i32
    %dma_wait3A_191 = arith.constant 0 : i32
    %dma_wait3A_192 = tpu.memref_slice %arg6[%dma_wait3A, %dma_wait3A_190, %dma_wait3A_191] : memref<15x8x1024xf32, #tpu.memory_space<vmem>> -> memref<1x8x1024xf32, #tpu.memory_space<vmem>>
    %dma_wait3A_193 = tpu.memref_squeeze %dma_wait3A_192 : memref<1x8x1024xf32, #tpu.memory_space<vmem>> -> memref<8x1024xf32, #tpu.memory_space<vmem>>
    tpu.wait_dma2 semaphore(%arg8 : memref<!tpu.dma_semaphore, #tpu.memory_space<semaphore_mem>>) src(%dma_wait3A_193 : memref<8x1024xf32, #tpu.memory_space<vmem>>) dst(%dma_wait3A_189 : memref<8x1024xf32, #tpu.memory_space<hbm>>)
    %dma_wait3A_194 = arith.constant 0 : i32
    %dma_wait3A_195 = arith.constant 0 : i32
    %dma_wait3A_196 = arith.constant 0 : i32
    %dma_wait3A_197 = arith.constant 0 : i32
    %dma_wait3A_198 = tpu.memref_slice %arg6[%dma_wait3A_194, %dma_wait3A_196, %dma_wait3A_197] : memref<15x8x1024xf32, #tpu.memory_space<vmem>> -> memref<1x8x1024xf32, #tpu.memory_space<vmem>>
    %dma_wait3A_199 = tpu.memref_squeeze %dma_wait3A_198 : memref<1x8x1024xf32, #tpu.memory_space<vmem>> -> memref<8x1024xf32, #tpu.memory_space<vmem>>
    %dma_wait3A_200 = arith.constant 0 : i32
    %dma_wait3A_201 = arith.constant 0 : i32
    %dma_wait3A_202 = tpu.memref_slice %arg4[%add3A, %dma_wait3A_195, %dma_wait3A_200, %dma_wait3A_201] : memref<32x64x8x1024xf32, #tpu.memory_space<hbm>> -> memref<1x1x8x1024xf32, #tpu.memory_space<hbm>>
    %dma_wait3A_203 = tpu.memref_squeeze %dma_wait3A_202 : memref<1x1x8x1024xf32, #tpu.memory_space<hbm>> -> memref<8x1024xf32, #tpu.memory_space<hbm>>
    %dma_wait3A_204 = arith.constant 0 : i32
    %dma_wait3A_205 = arith.constant 0 : i32
    %dma_wait3A_206 = tpu.memref_slice %arg4[%add3A, %dma_wait3A_195, %dma_wait3A_204, %dma_wait3A_205] : memref<32x64x8x1024xf32, #tpu.memory_space<hbm>> -> memref<1x1x8x1024xf32, #tpu.memory_space<hbm>>
    %dma_wait3A_207 = tpu.memref_squeeze %dma_wait3A_206 : memref<1x1x8x1024xf32, #tpu.memory_space<hbm>> -> memref<8x1024xf32, #tpu.memory_space<hbm>>
    %dma_wait3A_208 = arith.constant 0 : i32
    %dma_wait3A_209 = arith.constant 0 : i32
    %dma_wait3A_210 = tpu.memref_slice %arg6[%dma_wait3A_194, %dma_wait3A_208, %dma_wait3A_209] : memref<15x8x1024xf32, #tpu.memory_space<vmem>> -> memref<1x8x1024xf32, #tpu.memory_space<vmem>>
    %dma_wait3A_211 = tpu.memref_squeeze %dma_wait3A_210 : memref<1x8x1024xf32, #tpu.memory_space<vmem>> -> memref<8x1024xf32, #tpu.memory_space<vmem>>
    tpu.wait_dma2 semaphore(%arg8 : memref<!tpu.dma_semaphore, #tpu.memory_space<semaphore_mem>>) src(%dma_wait3A_211 : memref<8x1024xf32, #tpu.memory_space<vmem>>) dst(%dma_wait3A_207 : memref<8x1024xf32, #tpu.memory_space<hbm>>)
    %dma_wait3A_212 = arith.constant 0 : i32
    %dma_wait3A_213 = arith.constant 0 : i32
    %dma_wait3A_214 = arith.constant 0 : i32
    %dma_wait3A_215 = arith.constant 0 : i32
    %dma_wait3A_216 = tpu.memref_slice %arg6[%dma_wait3A_212, %dma_wait3A_214, %dma_wait3A_215] : memref<15x8x1024xf32, #tpu.memory_space<vmem>> -> memref<1x8x1024xf32, #tpu.memory_space<vmem>>
    %dma_wait3A_217 = tpu.memref_squeeze %dma_wait3A_216 : memref<1x8x1024xf32, #tpu.memory_space<vmem>> -> memref<8x1024xf32, #tpu.memory_space<vmem>>
    %dma_wait3A_218 = arith.constant 0 : i32
    %dma_wait3A_219 = arith.constant 0 : i32
    %dma_wait3A_220 = tpu.memref_slice %arg4[%add3A, %dma_wait3A_213, %dma_wait3A_218, %dma_wait3A_219] : memref<32x64x8x1024xf32, #tpu.memory_space<hbm>> -> memref<1x1x8x1024xf32, #tpu.memory_space<hbm>>
    %dma_wait3A_221 = tpu.memref_squeeze %dma_wait3A_220 : memref<1x1x8x1024xf32, #tpu.memory_space<hbm>> -> memref<8x1024xf32, #tpu.memory_space<hbm>>
    %dma_wait3A_222 = arith.constant 0 : i32
    %dma_wait3A_223 = arith.constant 0 : i32
    %dma_wait3A_224 = tpu.memref_slice %arg4[%add3A, %dma_wait3A_213, %dma_wait3A_222, %dma_wait3A_223] : memref<32x64x8x1024xf32, #tpu.memory_space<hbm>> -> memref<1x1x8x1024xf32, #tpu.memory_space<hbm>>
    %dma_wait3A_225 = tpu.memref_squeeze %dma_wait3A_224 : memref<1x1x8x1024xf32, #tpu.memory_space<hbm>> -> memref<8x1024xf32, #tpu.memory_space<hbm>>
    %dma_wait3A_226 = arith.constant 0 : i32
    %dma_wait3A_227 = arith.constant 0 : i32
    %dma_wait3A_228 = tpu.memref_slice %arg6[%dma_wait3A_212, %dma_wait3A_226, %dma_wait3A_227] : memref<15x8x1024xf32, #tpu.memory_space<vmem>> -> memref<1x8x1024xf32, #tpu.memory_space<vmem>>
    %dma_wait3A_229 = tpu.memref_squeeze %dma_wait3A_228 : memref<1x8x1024xf32, #tpu.memory_space<vmem>> -> memref<8x1024xf32, #tpu.memory_space<vmem>>
    tpu.wait_dma2 semaphore(%arg8 : memref<!tpu.dma_semaphore, #tpu.memory_space<semaphore_mem>>) src(%dma_wait3A_229 : memref<8x1024xf32, #tpu.memory_space<vmem>>) dst(%dma_wait3A_225 : memref<8x1024xf32, #tpu.memory_space<hbm>>)
    %dma_wait3A_230 = arith.constant 0 : i32
    %dma_wait3A_231 = arith.constant 0 : i32
    %dma_wait3A_232 = arith.constant 0 : i32
    %dma_wait3A_233 = arith.constant 0 : i32
    %dma_wait3A_234 = tpu.memref_slice %arg6[%dma_wait3A_230, %dma_wait3A_232, %dma_wait3A_233] : memref<15x8x1024xf32, #tpu.memory_space<vmem>> -> memref<1x8x1024xf32, #tpu.memory_space<vmem>>
    %dma_wait3A_235 = tpu.memref_squeeze %dma_wait3A_234 : memref<1x8x1024xf32, #tpu.memory_space<vmem>> -> memref<8x1024xf32, #tpu.memory_space<vmem>>
    %dma_wait3A_236 = arith.constant 0 : i32
    %dma_wait3A_237 = arith.constant 0 : i32
    %dma_wait3A_238 = tpu.memref_slice %arg4[%add3A, %dma_wait3A_231, %dma_wait3A_236, %dma_wait3A_237] : memref<32x64x8x1024xf32, #tpu.memory_space<hbm>> -> memref<1x1x8x1024xf32, #tpu.memory_space<hbm>>
    %dma_wait3A_239 = tpu.memref_squeeze %dma_wait3A_238 : memref<1x1x8x1024xf32, #tpu.memory_space<hbm>> -> memref<8x1024xf32, #tpu.memory_space<hbm>>
    %dma_wait3A_240 = arith.constant 0 : i32
    %dma_wait3A_241 = arith.constant 0 : i32
    %dma_wait3A_242 = tpu.memref_slice %arg4[%add3A, %dma_wait3A_231, %dma_wait3A_240, %dma_wait3A_241] : memref<32x64x8x1024xf32, #tpu.memory_space<hbm>> -> memref<1x1x8x1024xf32, #tpu.memory_space<hbm>>
    %dma_wait3A_243 = tpu.memref_squeeze %dma_wait3A_242 : memref<1x1x8x1024xf32, #tpu.memory_space<hbm>> -> memref<8x1024xf32, #tpu.memory_space<hbm>>
    %dma_wait3A_244 = arith.constant 0 : i32
    %dma_wait3A_245 = arith.constant 0 : i32
    %dma_wait3A_246 = tpu.memref_slice %arg6[%dma_wait3A_230, %dma_wait3A_244, %dma_wait3A_245] : memref<15x8x1024xf32, #tpu.memory_space<vmem>> -> memref<1x8x1024xf32, #tpu.memory_space<vmem>>
    %dma_wait3A_247 = tpu.memref_squeeze %dma_wait3A_246 : memref<1x8x1024xf32, #tpu.memory_space<vmem>> -> memref<8x1024xf32, #tpu.memory_space<vmem>>
    tpu.wait_dma2 semaphore(%arg8 : memref<!tpu.dma_semaphore, #tpu.memory_space<semaphore_mem>>) src(%dma_wait3A_247 : memref<8x1024xf32, #tpu.memory_space<vmem>>) dst(%dma_wait3A_243 : memref<8x1024xf32, #tpu.memory_space<hbm>>)
    %dma_wait3A_248 = arith.constant 0 : i32
    %dma_wait3A_249 = arith.constant 0 : i32
    %dma_wait3A_250 = arith.constant 0 : i32
    %dma_wait3A_251 = arith.constant 0 : i32
    %dma_wait3A_252 = tpu.memref_slice %arg6[%dma_wait3A_248, %dma_wait3A_250, %dma_wait3A_251] : memref<15x8x1024xf32, #tpu.memory_space<vmem>> -> memref<1x8x1024xf32, #tpu.memory_space<vmem>>
    %dma_wait3A_253 = tpu.memref_squeeze %dma_wait3A_252 : memref<1x8x1024xf32, #tpu.memory_space<vmem>> -> memref<8x1024xf32, #tpu.memory_space<vmem>>
    %dma_wait3A_254 = arith.constant 0 : i32
    %dma_wait3A_255 = arith.constant 0 : i32
    %dma_wait3A_256 = tpu.memref_slice %arg4[%add3A, %dma_wait3A_249, %dma_wait3A_254, %dma_wait3A_255] : memref<32x64x8x1024xf32, #tpu.memory_space<hbm>> -> memref<1x1x8x1024xf32, #tpu.memory_space<hbm>>
    %dma_wait3A_257 = tpu.memref_squeeze %dma_wait3A_256 : memref<1x1x8x1024xf32, #tpu.memory_space<hbm>> -> memref<8x1024xf32, #tpu.memory_space<hbm>>
    %dma_wait3A_258 = arith.constant 0 : i32
    %dma_wait3A_259 = arith.constant 0 : i32
    %dma_wait3A_260 = tpu.memref_slice %arg4[%add3A, %dma_wait3A_249, %dma_wait3A_258, %dma_wait3A_259] : memref<32x64x8x1024xf32, #tpu.memory_space<hbm>> -> memref<1x1x8x1024xf32, #tpu.memory_space<hbm>>
    %dma_wait3A_261 = tpu.memref_squeeze %dma_wait3A_260 : memref<1x1x8x1024xf32, #tpu.memory_space<hbm>> -> memref<8x1024xf32, #tpu.memory_space<hbm>>
    %dma_wait3A_262 = arith.constant 0 : i32
    %dma_wait3A_263 = arith.constant 0 : i32
    %dma_wait3A_264 = tpu.memref_slice %arg6[%dma_wait3A_248, %dma_wait3A_262, %dma_wait3A_263] : memref<15x8x1024xf32, #tpu.memory_space<vmem>> -> memref<1x8x1024xf32, #tpu.memory_space<vmem>>
    %dma_wait3A_265 = tpu.memref_squeeze %dma_wait3A_264 : memref<1x8x1024xf32, #tpu.memory_space<vmem>> -> memref<8x1024xf32, #tpu.memory_space<vmem>>
    tpu.wait_dma2 semaphore(%arg8 : memref<!tpu.dma_semaphore, #tpu.memory_space<semaphore_mem>>) src(%dma_wait3A_265 : memref<8x1024xf32, #tpu.memory_space<vmem>>) dst(%dma_wait3A_261 : memref<8x1024xf32, #tpu.memory_space<hbm>>)
    %dma_wait3A_266 = arith.constant 0 : i32
    %dma_wait3A_267 = arith.constant 0 : i32
    %dma_wait3A_268 = arith.constant 0 : i32
    %dma_wait3A_269 = arith.constant 0 : i32
    %dma_wait3A_270 = tpu.memref_slice %arg6[%dma_wait3A_266, %dma_wait3A_268, %dma_wait3A_269] : memref<15x8x1024xf32, #tpu.memory_space<vmem>> -> memref<1x8x1024xf32, #tpu.memory_space<vmem>>
    %dma_wait3A_271 = tpu.memref_squeeze %dma_wait3A_270 : memref<1x8x1024xf32, #tpu.memory_space<vmem>> -> memref<8x1024xf32, #tpu.memory_space<vmem>>
    %dma_wait3A_272 = arith.constant 0 : i32
    %dma_wait3A_273 = arith.constant 0 : i32
    %dma_wait3A_274 = tpu.memref_slice %arg4[%add3A, %dma_wait3A_267, %dma_wait3A_272, %dma_wait3A_273] : memref<32x64x8x1024xf32, #tpu.memory_space<hbm>> -> memref<1x1x8x1024xf32, #tpu.memory_space<hbm>>
    %dma_wait3A_275 = tpu.memref_squeeze %dma_wait3A_274 : memref<1x1x8x1024xf32, #tpu.memory_space<hbm>> -> memref<8x1024xf32, #tpu.memory_space<hbm>>
    %dma_wait3A_276 = arith.constant 0 : i32
    %dma_wait3A_277 = arith.constant 0 : i32
    %dma_wait3A_278 = tpu.memref_slice %arg4[%add3A, %dma_wait3A_267, %dma_wait3A_276, %dma_wait3A_277] : memref<32x64x8x1024xf32, #tpu.memory_space<hbm>> -> memref<1x1x8x1024xf32, #tpu.memory_space<hbm>>
    %dma_wait3A_279 = tpu.memref_squeeze %dma_wait3A_278 : memref<1x1x8x1024xf32, #tpu.memory_space<hbm>> -> memref<8x1024xf32, #tpu.memory_space<hbm>>
    %dma_wait3A_280 = arith.constant 0 : i32
    %dma_wait3A_281 = arith.constant 0 : i32
    %dma_wait3A_282 = tpu.memref_slice %arg6[%dma_wait3A_266, %dma_wait3A_280, %dma_wait3A_281] : memref<15x8x1024xf32, #tpu.memory_space<vmem>> -> memref<1x8x1024xf32, #tpu.memory_space<vmem>>
    %dma_wait3A_283 = tpu.memref_squeeze %dma_wait3A_282 : memref<1x8x1024xf32, #tpu.memory_space<vmem>> -> memref<8x1024xf32, #tpu.memory_space<vmem>>
    tpu.wait_dma2 semaphore(%arg8 : memref<!tpu.dma_semaphore, #tpu.memory_space<semaphore_mem>>) src(%dma_wait3A_283 : memref<8x1024xf32, #tpu.memory_space<vmem>>) dst(%dma_wait3A_279 : memref<8x1024xf32, #tpu.memory_space<hbm>>)
    %dma_wait3A_284 = arith.constant 0 : i32
    %dma_wait3A_285 = arith.constant 0 : i32
    %dma_wait3A_286 = arith.constant 0 : i32
    %dma_wait3A_287 = arith.constant 0 : i32
    %dma_wait3A_288 = tpu.memref_slice %arg6[%dma_wait3A_284, %dma_wait3A_286, %dma_wait3A_287] : memref<15x8x1024xf32, #tpu.memory_space<vmem>> -> memref<1x8x1024xf32, #tpu.memory_space<vmem>>
    %dma_wait3A_289 = tpu.memref_squeeze %dma_wait3A_288 : memref<1x8x1024xf32, #tpu.memory_space<vmem>> -> memref<8x1024xf32, #tpu.memory_space<vmem>>
    %dma_wait3A_290 = arith.constant 0 : i32
    %dma_wait3A_291 = arith.constant 0 : i32
    %dma_wait3A_292 = tpu.memref_slice %arg4[%add3A, %dma_wait3A_285, %dma_wait3A_290, %dma_wait3A_291] : memref<32x64x8x1024xf32, #tpu.memory_space<hbm>> -> memref<1x1x8x1024xf32, #tpu.memory_space<hbm>>
    %dma_wait3A_293 = tpu.memref_squeeze %dma_wait3A_292 : memref<1x1x8x1024xf32, #tpu.memory_space<hbm>> -> memref<8x1024xf32, #tpu.memory_space<hbm>>
    %dma_wait3A_294 = arith.constant 0 : i32
    %dma_wait3A_295 = arith.constant 0 : i32
    %dma_wait3A_296 = tpu.memref_slice %arg4[%add3A, %dma_wait3A_285, %dma_wait3A_294, %dma_wait3A_295] : memref<32x64x8x1024xf32, #tpu.memory_space<hbm>> -> memref<1x1x8x1024xf32, #tpu.memory_space<hbm>>
    %dma_wait3A_297 = tpu.memref_squeeze %dma_wait3A_296 : memref<1x1x8x1024xf32, #tpu.memory_space<hbm>> -> memref<8x1024xf32, #tpu.memory_space<hbm>>
    %dma_wait3A_298 = arith.constant 0 : i32
    %dma_wait3A_299 = arith.constant 0 : i32
    %dma_wait3A_300 = tpu.memref_slice %arg6[%dma_wait3A_284, %dma_wait3A_298, %dma_wait3A_299] : memref<15x8x1024xf32, #tpu.memory_space<vmem>> -> memref<1x8x1024xf32, #tpu.memory_space<vmem>>
    %dma_wait3A_301 = tpu.memref_squeeze %dma_wait3A_300 : memref<1x8x1024xf32, #tpu.memory_space<vmem>> -> memref<8x1024xf32, #tpu.memory_space<vmem>>
    tpu.wait_dma2 semaphore(%arg8 : memref<!tpu.dma_semaphore, #tpu.memory_space<semaphore_mem>>) src(%dma_wait3A_301 : memref<8x1024xf32, #tpu.memory_space<vmem>>) dst(%dma_wait3A_297 : memref<8x1024xf32, #tpu.memory_space<hbm>>)
    %dma_wait3A_302 = arith.constant 0 : i32
    %dma_wait3A_303 = arith.constant 0 : i32
    %dma_wait3A_304 = arith.constant 0 : i32
    %dma_wait3A_305 = arith.constant 0 : i32
    %dma_wait3A_306 = tpu.memref_slice %arg6[%dma_wait3A_302, %dma_wait3A_304, %dma_wait3A_305] : memref<15x8x1024xf32, #tpu.memory_space<vmem>> -> memref<1x8x1024xf32, #tpu.memory_space<vmem>>
    %dma_wait3A_307 = tpu.memref_squeeze %dma_wait3A_306 : memref<1x8x1024xf32, #tpu.memory_space<vmem>> -> memref<8x1024xf32, #tpu.memory_space<vmem>>
    %dma_wait3A_308 = arith.constant 0 : i32
    %dma_wait3A_309 = arith.constant 0 : i32
    %dma_wait3A_310 = tpu.memref_slice %arg4[%add3A, %dma_wait3A_303, %dma_wait3A_308, %dma_wait3A_309] : memref<32x64x8x1024xf32, #tpu.memory_space<hbm>> -> memref<1x1x8x1024xf32, #tpu.memory_space<hbm>>
    %dma_wait3A_311 = tpu.memref_squeeze %dma_wait3A_310 : memref<1x1x8x1024xf32, #tpu.memory_space<hbm>> -> memref<8x1024xf32, #tpu.memory_space<hbm>>
    %dma_wait3A_312 = arith.constant 0 : i32
    %dma_wait3A_313 = arith.constant 0 : i32
    %dma_wait3A_314 = tpu.memref_slice %arg4[%add3A, %dma_wait3A_303, %dma_wait3A_312, %dma_wait3A_313] : memref<32x64x8x1024xf32, #tpu.memory_space<hbm>> -> memref<1x1x8x1024xf32, #tpu.memory_space<hbm>>
    %dma_wait3A_315 = tpu.memref_squeeze %dma_wait3A_314 : memref<1x1x8x1024xf32, #tpu.memory_space<hbm>> -> memref<8x1024xf32, #tpu.memory_space<hbm>>
    %dma_wait3A_316 = arith.constant 0 : i32
    %dma_wait3A_317 = arith.constant 0 : i32
    %dma_wait3A_318 = tpu.memref_slice %arg6[%dma_wait3A_302, %dma_wait3A_316, %dma_wait3A_317] : memref<15x8x1024xf32, #tpu.memory_space<vmem>> -> memref<1x8x1024xf32, #tpu.memory_space<vmem>>
    %dma_wait3A_319 = tpu.memref_squeeze %dma_wait3A_318 : memref<1x8x1024xf32, #tpu.memory_space<vmem>> -> memref<8x1024xf32, #tpu.memory_space<vmem>>
    tpu.wait_dma2 semaphore(%arg8 : memref<!tpu.dma_semaphore, #tpu.memory_space<semaphore_mem>>) src(%dma_wait3A_319 : memref<8x1024xf32, #tpu.memory_space<vmem>>) dst(%dma_wait3A_315 : memref<8x1024xf32, #tpu.memory_space<hbm>>)
    %dma_wait3A_320 = arith.constant 0 : i32
    %dma_wait3A_321 = arith.constant 0 : i32
    %dma_wait3A_322 = arith.constant 0 : i32
    %dma_wait3A_323 = arith.constant 0 : i32
    %dma_wait3A_324 = tpu.memref_slice %arg6[%dma_wait3A_320, %dma_wait3A_322, %dma_wait3A_323] : memref<15x8x1024xf32, #tpu.memory_space<vmem>> -> memref<1x8x1024xf32, #tpu.memory_space<vmem>>
    %dma_wait3A_325 = tpu.memref_squeeze %dma_wait3A_324 : memref<1x8x1024xf32, #tpu.memory_space<vmem>> -> memref<8x1024xf32, #tpu.memory_space<vmem>>
    %dma_wait3A_326 = arith.constant 0 : i32
    %dma_wait3A_327 = arith.constant 0 : i32
    %dma_wait3A_328 = tpu.memref_slice %arg4[%add3A, %dma_wait3A_321, %dma_wait3A_326, %dma_wait3A_327] : memref<32x64x8x1024xf32, #tpu.memory_space<hbm>> -> memref<1x1x8x1024xf32, #tpu.memory_space<hbm>>
    %dma_wait3A_329 = tpu.memref_squeeze %dma_wait3A_328 : memref<1x1x8x1024xf32, #tpu.memory_space<hbm>> -> memref<8x1024xf32, #tpu.memory_space<hbm>>
    %dma_wait3A_330 = arith.constant 0 : i32
    %dma_wait3A_331 = arith.constant 0 : i32
    %dma_wait3A_332 = tpu.memref_slice %arg4[%add3A, %dma_wait3A_321, %dma_wait3A_330, %dma_wait3A_331] : memref<32x64x8x1024xf32, #tpu.memory_space<hbm>> -> memref<1x1x8x1024xf32, #tpu.memory_space<hbm>>
    %dma_wait3A_333 = tpu.memref_squeeze %dma_wait3A_332 : memref<1x1x8x1024xf32, #tpu.memory_space<hbm>> -> memref<8x1024xf32, #tpu.memory_space<hbm>>
    %dma_wait3A_334 = arith.constant 0 : i32
    %dma_wait3A_335 = arith.constant 0 : i32
    %dma_wait3A_336 = tpu.memref_slice %arg6[%dma_wait3A_320, %dma_wait3A_334, %dma_wait3A_335] : memref<15x8x1024xf32, #tpu.memory_space<vmem>> -> memref<1x8x1024xf32, #tpu.memory_space<vmem>>
    %dma_wait3A_337 = tpu.memref_squeeze %dma_wait3A_336 : memref<1x8x1024xf32, #tpu.memory_space<vmem>> -> memref<8x1024xf32, #tpu.memory_space<vmem>>
    tpu.wait_dma2 semaphore(%arg8 : memref<!tpu.dma_semaphore, #tpu.memory_space<semaphore_mem>>) src(%dma_wait3A_337 : memref<8x1024xf32, #tpu.memory_space<vmem>>) dst(%dma_wait3A_333 : memref<8x1024xf32, #tpu.memory_space<hbm>>)
    %dma_wait3A_338 = arith.constant 0 : i32
    %dma_wait3A_339 = arith.constant 0 : i32
    %dma_wait3A_340 = arith.constant 0 : i32
    %dma_wait3A_341 = arith.constant 0 : i32
    %dma_wait3A_342 = tpu.memref_slice %arg6[%dma_wait3A_338, %dma_wait3A_340, %dma_wait3A_341] : memref<15x8x1024xf32, #tpu.memory_space<vmem>> -> memref<1x8x1024xf32, #tpu.memory_space<vmem>>
    %dma_wait3A_343 = tpu.memref_squeeze %dma_wait3A_342 : memref<1x8x1024xf32, #tpu.memory_space<vmem>> -> memref<8x1024xf32, #tpu.memory_space<vmem>>
    %dma_wait3A_344 = arith.constant 0 : i32
    %dma_wait3A_345 = arith.constant 0 : i32
    %dma_wait3A_346 = tpu.memref_slice %arg4[%add3A, %dma_wait3A_339, %dma_wait3A_344, %dma_wait3A_345] : memref<32x64x8x1024xf32, #tpu.memory_space<hbm>> -> memref<1x1x8x1024xf32, #tpu.memory_space<hbm>>
    %dma_wait3A_347 = tpu.memref_squeeze %dma_wait3A_346 : memref<1x1x8x1024xf32, #tpu.memory_space<hbm>> -> memref<8x1024xf32, #tpu.memory_space<hbm>>
    %dma_wait3A_348 = arith.constant 0 : i32
    %dma_wait3A_349 = arith.constant 0 : i32
    %dma_wait3A_350 = tpu.memref_slice %arg4[%add3A, %dma_wait3A_339, %dma_wait3A_348, %dma_wait3A_349] : memref<32x64x8x1024xf32, #tpu.memory_space<hbm>> -> memref<1x1x8x1024xf32, #tpu.memory_space<hbm>>
    %dma_wait3A_351 = tpu.memref_squeeze %dma_wait3A_350 : memref<1x1x8x1024xf32, #tpu.memory_space<hbm>> -> memref<8x1024xf32, #tpu.memory_space<hbm>>
    %dma_wait3A_352 = arith.constant 0 : i32
    %dma_wait3A_353 = arith.constant 0 : i32
    %dma_wait3A_354 = tpu.memref_slice %arg6[%dma_wait3A_338, %dma_wait3A_352, %dma_wait3A_353] : memref<15x8x1024xf32, #tpu.memory_space<vmem>> -> memref<1x8x1024xf32, #tpu.memory_space<vmem>>
    %dma_wait3A_355 = tpu.memref_squeeze %dma_wait3A_354 : memref<1x8x1024xf32, #tpu.memory_space<vmem>> -> memref<8x1024xf32, #tpu.memory_space<vmem>>
    tpu.wait_dma2 semaphore(%arg8 : memref<!tpu.dma_semaphore, #tpu.memory_space<semaphore_mem>>) src(%dma_wait3A_355 : memref<8x1024xf32, #tpu.memory_space<vmem>>) dst(%dma_wait3A_351 : memref<8x1024xf32, #tpu.memory_space<hbm>>)
    %dma_wait3A_356 = arith.constant 0 : i32
    %dma_wait3A_357 = arith.constant 0 : i32
    %dma_wait3A_358 = arith.constant 0 : i32
    %dma_wait3A_359 = arith.constant 0 : i32
    %dma_wait3A_360 = tpu.memref_slice %arg6[%dma_wait3A_356, %dma_wait3A_358, %dma_wait3A_359] : memref<15x8x1024xf32, #tpu.memory_space<vmem>> -> memref<1x8x1024xf32, #tpu.memory_space<vmem>>
    %dma_wait3A_361 = tpu.memref_squeeze %dma_wait3A_360 : memref<1x8x1024xf32, #tpu.memory_space<vmem>> -> memref<8x1024xf32, #tpu.memory_space<vmem>>
    %dma_wait3A_362 = arith.constant 0 : i32
    %dma_wait3A_363 = arith.constant 0 : i32
    %dma_wait3A_364 = tpu.memref_slice %arg4[%add3A, %dma_wait3A_357, %dma_wait3A_362, %dma_wait3A_363] : memref<32x64x8x1024xf32, #tpu.memory_space<hbm>> -> memref<1x1x8x1024xf32, #tpu.memory_space<hbm>>
    %dma_wait3A_365 = tpu.memref_squeeze %dma_wait3A_364 : memref<1x1x8x1024xf32, #tpu.memory_space<hbm>> -> memref<8x1024xf32, #tpu.memory_space<hbm>>
    %dma_wait3A_366 = arith.constant 0 : i32
    %dma_wait3A_367 = arith.constant 0 : i32
    %dma_wait3A_368 = tpu.memref_slice %arg4[%add3A, %dma_wait3A_357, %dma_wait3A_366, %dma_wait3A_367] : memref<32x64x8x1024xf32, #tpu.memory_space<hbm>> -> memref<1x1x8x1024xf32, #tpu.memory_space<hbm>>
    %dma_wait3A_369 = tpu.memref_squeeze %dma_wait3A_368 : memref<1x1x8x1024xf32, #tpu.memory_space<hbm>> -> memref<8x1024xf32, #tpu.memory_space<hbm>>
    %dma_wait3A_370 = arith.constant 0 : i32
    %dma_wait3A_371 = arith.constant 0 : i32
    %dma_wait3A_372 = tpu.memref_slice %arg6[%dma_wait3A_356, %dma_wait3A_370, %dma_wait3A_371] : memref<15x8x1024xf32, #tpu.memory_space<vmem>> -> memref<1x8x1024xf32, #tpu.memory_space<vmem>>
    %dma_wait3A_373 = tpu.memref_squeeze %dma_wait3A_372 : memref<1x8x1024xf32, #tpu.memory_space<vmem>> -> memref<8x1024xf32, #tpu.memory_space<vmem>>
    tpu.wait_dma2 semaphore(%arg8 : memref<!tpu.dma_semaphore, #tpu.memory_space<semaphore_mem>>) src(%dma_wait3A_373 : memref<8x1024xf32, #tpu.memory_space<vmem>>) dst(%dma_wait3A_369 : memref<8x1024xf32, #tpu.memory_space<hbm>>)
    %dma_wait3A_374 = arith.constant 0 : i32
    %dma_wait3A_375 = arith.constant 0 : i32
    %dma_wait3A_376 = arith.constant 0 : i32
    %dma_wait3A_377 = arith.constant 0 : i32
    %dma_wait3A_378 = tpu.memref_slice %arg6[%dma_wait3A_374, %dma_wait3A_376, %dma_wait3A_377] : memref<15x8x1024xf32, #tpu.memory_space<vmem>> -> memref<1x8x1024xf32, #tpu.memory_space<vmem>>
    %dma_wait3A_379 = tpu.memref_squeeze %dma_wait3A_378 : memref<1x8x1024xf32, #tpu.memory_space<vmem>> -> memref<8x1024xf32, #tpu.memory_space<vmem>>
    %dma_wait3A_380 = arith.constant 0 : i32
    %dma_wait3A_381 = arith.constant 0 : i32
    %dma_wait3A_382 = tpu.memref_slice %arg4[%add3A, %dma_wait3A_375, %dma_wait3A_380, %dma_wait3A_381] : memref<32x64x8x1024xf32, #tpu.memory_space<hbm>> -> memref<1x1x8x1024xf32, #tpu.memory_space<hbm>>
    %dma_wait3A_383 = tpu.memref_squeeze %dma_wait3A_382 : memref<1x1x8x1024xf32, #tpu.memory_space<hbm>> -> memref<8x1024xf32, #tpu.memory_space<hbm>>
    %dma_wait3A_384 = arith.constant 0 : i32
    %dma_wait3A_385 = arith.constant 0 : i32
    %dma_wait3A_386 = tpu.memref_slice %arg4[%add3A, %dma_wait3A_375, %dma_wait3A_384, %dma_wait3A_385] : memref<32x64x8x1024xf32, #tpu.memory_space<hbm>> -> memref<1x1x8x1024xf32, #tpu.memory_space<hbm>>
    %dma_wait3A_387 = tpu.memref_squeeze %dma_wait3A_386 : memref<1x1x8x1024xf32, #tpu.memory_space<hbm>> -> memref<8x1024xf32, #tpu.memory_space<hbm>>
    %dma_wait3A_388 = arith.constant 0 : i32
    %dma_wait3A_389 = arith.constant 0 : i32
    %dma_wait3A_390 = tpu.memref_slice %arg6[%dma_wait3A_374, %dma_wait3A_388, %dma_wait3A_389] : memref<15x8x1024xf32, #tpu.memory_space<vmem>> -> memref<1x8x1024xf32, #tpu.memory_space<vmem>>
    %dma_wait3A_391 = tpu.memref_squeeze %dma_wait3A_390 : memref<1x8x1024xf32, #tpu.memory_space<vmem>> -> memref<8x1024xf32, #tpu.memory_space<vmem>>
    tpu.wait_dma2 semaphore(%arg8 : memref<!tpu.dma_semaphore, #tpu.memory_space<semaphore_mem>>) src(%dma_wait3A_391 : memref<8x1024xf32, #tpu.memory_space<vmem>>) dst(%dma_wait3A_387 : memref<8x1024xf32, #tpu.memory_space<hbm>>)
    %dma_wait3A_392 = arith.constant 0 : i32
    %dma_wait3A_393 = arith.constant 0 : i32
    %dma_wait3A_394 = arith.constant 0 : i32
    %dma_wait3A_395 = arith.constant 0 : i32
    %dma_wait3A_396 = tpu.memref_slice %arg6[%dma_wait3A_392, %dma_wait3A_394, %dma_wait3A_395] : memref<15x8x1024xf32, #tpu.memory_space<vmem>> -> memref<1x8x1024xf32, #tpu.memory_space<vmem>>
    %dma_wait3A_397 = tpu.memref_squeeze %dma_wait3A_396 : memref<1x8x1024xf32, #tpu.memory_space<vmem>> -> memref<8x1024xf32, #tpu.memory_space<vmem>>
    %dma_wait3A_398 = arith.constant 0 : i32
    %dma_wait3A_399 = arith.constant 0 : i32
    %dma_wait3A_400 = tpu.memref_slice %arg4[%add3A, %dma_wait3A_393, %dma_wait3A_398, %dma_wait3A_399] : memref<32x64x8x1024xf32, #tpu.memory_space<hbm>> -> memref<1x1x8x1024xf32, #tpu.memory_space<hbm>>
    %dma_wait3A_401 = tpu.memref_squeeze %dma_wait3A_400 : memref<1x1x8x1024xf32, #tpu.memory_space<hbm>> -> memref<8x1024xf32, #tpu.memory_space<hbm>>
    %dma_wait3A_402 = arith.constant 0 : i32
    %dma_wait3A_403 = arith.constant 0 : i32
    %dma_wait3A_404 = tpu.memref_slice %arg4[%add3A, %dma_wait3A_393, %dma_wait3A_402, %dma_wait3A_403] : memref<32x64x8x1024xf32, #tpu.memory_space<hbm>> -> memref<1x1x8x1024xf32, #tpu.memory_space<hbm>>
    %dma_wait3A_405 = tpu.memref_squeeze %dma_wait3A_404 : memref<1x1x8x1024xf32, #tpu.memory_space<hbm>> -> memref<8x1024xf32, #tpu.memory_space<hbm>>
    %dma_wait3A_406 = arith.constant 0 : i32
    %dma_wait3A_407 = arith.constant 0 : i32
    %dma_wait3A_408 = tpu.memref_slice %arg6[%dma_wait3A_392, %dma_wait3A_406, %dma_wait3A_407] : memref<15x8x1024xf32, #tpu.memory_space<vmem>> -> memref<1x8x1024xf32, #tpu.memory_space<vmem>>
    %dma_wait3A_409 = tpu.memref_squeeze %dma_wait3A_408 : memref<1x8x1024xf32, #tpu.memory_space<vmem>> -> memref<8x1024xf32, #tpu.memory_space<vmem>>
    tpu.wait_dma2 semaphore(%arg8 : memref<!tpu.dma_semaphore, #tpu.memory_space<semaphore_mem>>) src(%dma_wait3A_409 : memref<8x1024xf32, #tpu.memory_space<vmem>>) dst(%dma_wait3A_405 : memref<8x1024xf32, #tpu.memory_space<hbm>>)
    %dma_wait3A_410 = arith.constant 0 : i32
    %dma_wait3A_411 = arith.constant 0 : i32
    %dma_wait3A_412 = arith.constant 0 : i32
    %dma_wait3A_413 = arith.constant 0 : i32
    %dma_wait3A_414 = tpu.memref_slice %arg6[%dma_wait3A_410, %dma_wait3A_412, %dma_wait3A_413] : memref<15x8x1024xf32, #tpu.memory_space<vmem>> -> memref<1x8x1024xf32, #tpu.memory_space<vmem>>
    %dma_wait3A_415 = tpu.memref_squeeze %dma_wait3A_414 : memref<1x8x1024xf32, #tpu.memory_space<vmem>> -> memref<8x1024xf32, #tpu.memory_space<vmem>>
    %dma_wait3A_416 = arith.constant 0 : i32
    %dma_wait3A_417 = arith.constant 0 : i32
    %dma_wait3A_418 = tpu.memref_slice %arg4[%add3A, %dma_wait3A_411, %dma_wait3A_416, %dma_wait3A_417] : memref<32x64x8x1024xf32, #tpu.memory_space<hbm>> -> memref<1x1x8x1024xf32, #tpu.memory_space<hbm>>
    %dma_wait3A_419 = tpu.memref_squeeze %dma_wait3A_418 : memref<1x1x8x1024xf32, #tpu.memory_space<hbm>> -> memref<8x1024xf32, #tpu.memory_space<hbm>>
    %dma_wait3A_420 = arith.constant 0 : i32
    %dma_wait3A_421 = arith.constant 0 : i32
    %dma_wait3A_422 = tpu.memref_slice %arg4[%add3A, %dma_wait3A_411, %dma_wait3A_420, %dma_wait3A_421] : memref<32x64x8x1024xf32, #tpu.memory_space<hbm>> -> memref<1x1x8x1024xf32, #tpu.memory_space<hbm>>
    %dma_wait3A_423 = tpu.memref_squeeze %dma_wait3A_422 : memref<1x1x8x1024xf32, #tpu.memory_space<hbm>> -> memref<8x1024xf32, #tpu.memory_space<hbm>>
    %dma_wait3A_424 = arith.constant 0 : i32
    %dma_wait3A_425 = arith.constant 0 : i32
    %dma_wait3A_426 = tpu.memref_slice %arg6[%dma_wait3A_410, %dma_wait3A_424, %dma_wait3A_425] : memref<15x8x1024xf32, #tpu.memory_space<vmem>> -> memref<1x8x1024xf32, #tpu.memory_space<vmem>>
    %dma_wait3A_427 = tpu.memref_squeeze %dma_wait3A_426 : memref<1x8x1024xf32, #tpu.memory_space<vmem>> -> memref<8x1024xf32, #tpu.memory_space<vmem>>
    tpu.wait_dma2 semaphore(%arg8 : memref<!tpu.dma_semaphore, #tpu.memory_space<semaphore_mem>>) src(%dma_wait3A_427 : memref<8x1024xf32, #tpu.memory_space<vmem>>) dst(%dma_wait3A_423 : memref<8x1024xf32, #tpu.memory_space<hbm>>)
    %dma_wait3A_428 = arith.constant 0 : i32
    %dma_wait3A_429 = arith.constant 0 : i32
    %dma_wait3A_430 = arith.constant 0 : i32
    %dma_wait3A_431 = arith.constant 0 : i32
    %dma_wait3A_432 = tpu.memref_slice %arg6[%dma_wait3A_428, %dma_wait3A_430, %dma_wait3A_431] : memref<15x8x1024xf32, #tpu.memory_space<vmem>> -> memref<1x8x1024xf32, #tpu.memory_space<vmem>>
    %dma_wait3A_433 = tpu.memref_squeeze %dma_wait3A_432 : memref<1x8x1024xf32, #tpu.memory_space<vmem>> -> memref<8x1024xf32, #tpu.memory_space<vmem>>
    %dma_wait3A_434 = arith.constant 0 : i32
    %dma_wait3A_435 = arith.constant 0 : i32
    %dma_wait3A_436 = tpu.memref_slice %arg4[%add3A, %dma_wait3A_429, %dma_wait3A_434, %dma_wait3A_435] : memref<32x64x8x1024xf32, #tpu.memory_space<hbm>> -> memref<1x1x8x1024xf32, #tpu.memory_space<hbm>>
    %dma_wait3A_437 = tpu.memref_squeeze %dma_wait3A_436 : memref<1x1x8x1024xf32, #tpu.memory_space<hbm>> -> memref<8x1024xf32, #tpu.memory_space<hbm>>
    %dma_wait3A_438 = arith.constant 0 : i32
    %dma_wait3A_439 = arith.constant 0 : i32
    %dma_wait3A_440 = tpu.memref_slice %arg4[%add3A, %dma_wait3A_429, %dma_wait3A_438, %dma_wait3A_439] : memref<32x64x8x1024xf32, #tpu.memory_space<hbm>> -> memref<1x1x8x1024xf32, #tpu.memory_space<hbm>>
    %dma_wait3A_441 = tpu.memref_squeeze %dma_wait3A_440 : memref<1x1x8x1024xf32, #tpu.memory_space<hbm>> -> memref<8x1024xf32, #tpu.memory_space<hbm>>
    %dma_wait3A_442 = arith.constant 0 : i32
    %dma_wait3A_443 = arith.constant 0 : i32
    %dma_wait3A_444 = tpu.memref_slice %arg6[%dma_wait3A_428, %dma_wait3A_442, %dma_wait3A_443] : memref<15x8x1024xf32, #tpu.memory_space<vmem>> -> memref<1x8x1024xf32, #tpu.memory_space<vmem>>
    %dma_wait3A_445 = tpu.memref_squeeze %dma_wait3A_444 : memref<1x8x1024xf32, #tpu.memory_space<vmem>> -> memref<8x1024xf32, #tpu.memory_space<vmem>>
    tpu.wait_dma2 semaphore(%arg8 : memref<!tpu.dma_semaphore, #tpu.memory_space<semaphore_mem>>) src(%dma_wait3A_445 : memref<8x1024xf32, #tpu.memory_space<vmem>>) dst(%dma_wait3A_441 : memref<8x1024xf32, #tpu.memory_space<hbm>>)
    return
  }
}

</mosaic_0001>

<sc_bundles>
// kernel: kernel.3.cloned.1.call-start
scs
__scs_entry_jumppad:
0x0: {  	(pc) =	sbr.rel $0x88, $3  }
0x1: {  	(tag) =	ssettag $0x0;
	lr =	simm.s32 $0x1  }
0x2: {  	[smem:$0x3F9F] =	sst lr;
	_ =	strace $0xD0000000  }
0x3: {  	_ = 	snop  }
0x4: {  	_ = 	snop  }
0x5: {  	_ = 	snop  }
0x6: {  	_ = 	snop  }
0x7: {  	_ = 	snop  }
__scs_overlays_trampoline_lowered:
0x8: {  	[smem:$0x3FAE] =	sst s0  }
0x9: {  	[smem:$0x3FAF] =	sst s1  }
0xa: {  	[smem:$0x3FB0] =	sst s2  }
0xb: {  	[smem:$0x3FB1] =	sst s3  }
0xc: {  	[smem:$0x3FB2] =	sst s4  }
0xd: {  	[smem:$0x3FB3] =	sst s5  }
0xe: {  	[smem:$0x3FB4] =	sst s6  }
0xf: {  	[smem:$0x3FB5] =	sst s7  }
0x10: {  	[smem:$0x3FB6] =	sst s8  }
0x11: {  	[smem:$0x3FB7] =	sst s9;
	s0 =	simm.s32 @!p0 $0x0  }
0x12: {  	s1 =	sld [smem:$0x3F9D];
	s0 =	simm.s32 @p0 $0x1  }
0x13: {  	[smem:$0x3FB8] =	sst s0;
	s0 =	simm.s32 @!p1 $0x0  }
0x14: {  	s2 =	sld [smem:$0x3F9C];
	s0 =	simm.s32 @p1 $0x1  }
0x15: {  	[smem:$0x3FB9] =	sst s0;
	s0 =	simm.s32 @!p2 $0x0  }
0x16: {  	s3 =	sld [smem:$0x3FDB];
	s0 =	simm.s32 @p2 $0x1  }
0x17: {  	s4 =	simm.s32 $0x1BF5;
	[smem:$0x3FBB] =	sst s0  }
0x18: {  	s0 =	sld [smem:$0x3F9E];
	_ =	swait.ge [sflag:s4], $0x0  }
0x19: {  	s7 =	sld [smem:$0x3F9F]  }
0x1a: {  	s8 =	sadd.s32 $0xFFFFE003, lr  }
0x1b: {  	s9 =	sadd.s32 $0xFFFFFEF7, lr;
	s5 =	simm.s32 $0xFFFFFFFF;
	p2 =	slt.u32 s8, $0xFFFFF086  }
0x1c: {  	p1 =	slt.u32 s9, $0xF7A;
	s5 =	simm.s32 @!p2 $0x0  }
0x1d: {  	s5 =	simm.s32 @p1 $0x1;
	p0 =	seq.s32 s7, s2  }
0x1e: {  	s7 =	smul.u32 @!p0 $0xF7A, s2;
	p2 =	seq.s32 @!p0 s5, $0x0  }
0x1f: {  	s9 =	smul.u32 $0xF7A, s1;
	s8 =	simm.s32 @!p0 $0x1BF5;
	p2 =	por !p2, p0  }
0x20: {  	[sflag:s8] =	ssyncset.s32 @!p0 $0xFFFFF086;
	s6 =	sadd.s32 @!p0 s3, s7;
	s7 =	simm.s32 @!p0 $0x108  }
0x21: {  	s3 =	sadd.s32 s3, s9;
	s6 =	sadd.s32 @!p0 $0x88, s6;
	s7 =	simm.s32 @p2 $0x1082  }
0x22: {  	[simem:s7], [sflag:s8] =	dma.local @!p0 [hbm:s6], $0xF7A  }
0x23: {  	s9 =	sor.u32 $0xD0000000, s2;
	s6 =	simm.s32 $0x108;
	_ =	swait.ge @!p0 [sflag:s8], $0x0  }
0x24: {  	s3 =	sadd.s32 $0x88, s3;
	s6 =	simm.s32 @!p1 $0x1082;
	[sflag:s4] =	ssyncset.s32 $0xFFFFF086  }
0x25: {  	[simem:s6], [sflag:s4] =	dma.local [hbm:s3], $0xF7A  }
0x26: {  	[smem:$0x3F9F] =	sst s1;
	(tag) =	ssettag s2;
	_ =	strace s9  }
0x27: {  	s1 =	sld [smem:$0x3FAF]  }
0x28: {  	s2 =	sld [smem:$0x3FB0]  }
0x29: {  	s4 =	sld [smem:$0x3FB2]  }
0x2a: {  	p0 =	seq.s32 s5, $0x0;
	s5 =	sld [smem:$0x3FB3]  }
0x2b: {  	s6 =	sld [smem:$0x3FB4]  }
0x2c: {  	s7 =	sld [smem:$0x3FB5]  }
0x2d: {  	s3 =	simm.s32 $0x108;
	s8 =	sld [smem:$0x3FB6]  }
0x2e: {  	s3 =	simm.s32 @!p0 $0x1082;
	s9 =	sld [smem:$0x3FB7]  }
0x2f: {  	lr =	sadd.s32 s0, s3;
	s0 =	sld [smem:$0x3FAE]  }
0x30: {  	s3 =	sld [smem:$0x3FB1]  }
0x31: {  	[smem:$0x3FBA] =	sst s10  }
0x32: {  	s10 =	sld [smem:$0x3FB8];
	_ =	sdelay $0x3  }
0x33: {  	p0 =	seq.s32 s10, $0x1;
	s10 =	sld [smem:$0x3FBA];
	_ =	sdelay $0x3  }
0x34: {  	[smem:$0x3FBA] =	sst s10  }
0x35: {  	s10 =	sld [smem:$0x3FB9];
	_ =	sdelay $0x3  }
0x36: {  	p1 =	seq.s32 s10, $0x1;
	s10 =	sld [smem:$0x3FBA];
	_ =	sdelay $0x3  }
0x37: {  	[smem:$0x3FBA] =	sst s10  }
0x38: {  	s10 =	sld [smem:$0x3FBB]  }
0x39: {  	_ = 	snop;
	(pc) =	sbr.ind lr, $3  }
0x3a: {  	_ = 	snop  }
0x3b: {  	_ = 	snop  }
0x3c: {  	p2 =	seq.s32 s10, $0x1;
	s10 =	sld [smem:$0x3FBA]  }
0x3d: {  	_ =	shalt  }
0x3e: {  	_ =	shalt  }
0x3f: {  	_ =	shalt  }
0x40: {  	_ =	shalt  }
0x41: {  	_ =	shalt  }
0x42: {  	_ =	shalt  }
0x43: {  	_ =	shalt  }
0x44: {  	_ =	shalt  }
0x45: {  	_ =	shalt  }
0x46: {  	_ =	shalt  }
0x47: {  	_ =	shalt  }
0x48: {  	_ =	shalt  }
0x49: {  	_ =	shalt  }
0x4a: {  	_ =	shalt  }
0x4b: {  	_ =	shalt  }
0x4c: {  	_ =	shalt  }
0x4d: {  	_ =	shalt  }
0x4e: {  	_ =	shalt  }
0x4f: {  	_ =	shalt  }
0x50: {  	_ =	shalt  }
0x51: {  	_ =	shalt  }
0x52: {  	_ =	shalt  }
0x53: {  	_ =	shalt  }
0x54: {  	_ =	shalt  }
0x55: {  	_ =	shalt  }
0x56: {  	_ =	shalt  }
0x57: {  	_ =	shalt  }
0x58: {  	_ =	shalt  }
0x59: {  	_ =	shalt  }
0x5a: {  	_ =	shalt  }
0x5b: {  	_ =	shalt  }
0x5c: {  	_ =	shalt  }
0x5d: {  	_ =	shalt  }
0x5e: {  	_ =	shalt  }
0x5f: {  	_ =	shalt  }
0x60: {  	_ =	shalt  }
0x61: {  	_ =	shalt  }
0x62: {  	_ =	shalt  }
0x63: {  	_ =	shalt  }
0x64: {  	_ =	shalt  }
0x65: {  	_ =	shalt  }
0x66: {  	_ =	shalt  }
0x67: {  	_ =	shalt  }
0x68: {  	_ =	shalt  }
0x69: {  	_ =	shalt  }
0x6a: {  	_ =	shalt  }
0x6b: {  	_ =	shalt  }
0x6c: {  	_ =	shalt  }
0x6d: {  	_ =	shalt  }
0x6e: {  	_ =	shalt  }
0x6f: {  	_ =	shalt  }
0x70: {  	_ =	shalt  }
0x71: {  	_ =	shalt  }
0x72: {  	_ =	shalt  }
0x73: {  	_ =	shalt  }
0x74: {  	_ =	shalt  }
0x75: {  	_ =	shalt  }
0x76: {  	_ =	shalt  }
0x77: {  	_ =	shalt  }
0x78: {  	_ =	shalt  }
0x79: {  	_ =	shalt  }
0x7a: {  	_ =	shalt  }
0x7b: {  	_ =	shalt  }
0x7c: {  	_ =	shalt  }
0x7d: {  	_ =	shalt  }
0x7e: {  	_ =	shalt  }
0x7f: {  	_ =	shalt  }
0x80: {  	_ =	shalt  }
0x81: {  	_ =	shalt  }
0x82: {  	_ =	shalt  }
0x83: {  	_ =	shalt  }
0x84: {  	_ =	shalt  }
0x85: {  	_ =	shalt  }
0x86: {  	_ =	shalt  }
0x87: {  	_ =	shalt  }
.Lfunc_end0:
.L_simem_size_0:
called_computation_lowered:
.L_overlay_start_0:
0x88: {  	s2 =	sld [smem:$0x3FD9]  }
0x89: {  	s3 =	sld [smem:$0x3FFE];
	_ =	sdelay $0x1  }
0x8a: {  	s1 =	srdreg.scid  }
0x8b: {  	s0 =	sand.u32 $0x1, s1  }
0x8c: {  	s18 =	sshll.u32 s0, $0xA;
	s2 =	sadd.s32 s3, s2  }
0x8d: {  	s2 =	sadd.s32 s2, s18  }
0x8e: {  	[smem:$0x3FC6] =	sst s2  }
0x8f: {  	_ = 	snop  }
0x90: {  	s2 =	sld [smem:$0x3FC9]  }
0x91: {  	s19 =	sld [smem:$0x3FC8]  }
0x92: {  	s4 =	sld [smem:$0x3FD0];
	(tm) =	ssettm $0x1  }
0x93: {  	s5 =	sld [smem:$0x3FFB];
	_ =	sdelay $0x3  }
0x94: {  	_ =	strace s5  }
0x95: {  	s5 =	sld [smem:$0x3FFC];
	_ =	sdelay $0x3  }
0x96: {  	_ =	strace s5  }
0x97: {  	s5 =	sld [smem:$0x3FFD];
	_ =	sdelay $0x3  }
0x98: {  	_ =	strace s5  }
0x99: {  	_ =	strace $0x8FFFFFFF  }
0x9a: {  	s20 =	sld [smem:$0x3FDB];
	_ =	sdelay $0x1  }
0x9b: {  	s6 =	simm.s32 $_scs_section_size  }
0x9c: {  	s7 =	simm.s32 $_size__tile_overlayer_lowered;
	s8 =	simm.s32 $_tile_overlayer_lowered  }
0x9d: {  	s23 =	simm.s32 $0x1BFF;
	s22 =	sshll.u32 s8, $0x1;
	s5 =	sadd.s32 s6, s20  }
0x9e: {  	s9 =	simm.s32 $0x0;
	s21 =	sshll.u32 s7, $0x1;
	s7 =	sadd.s32 s22, s5  }
0x9f: {  	[timem:s9], [sflag:s23] =	dma.local [hbm:s7], s21  }
0xa0: {  	_ =	swait.ge [sflag:s23], s21  }
0xa1: {  	s6 =	ssub.s32 $0x0, s21;
	[sflag:s23] =	ssyncset.done $0x0  }
0xa2: {  	[sflag:s23] =	ssyncadd.s32 s6;
	_ =	sdelay $0x1  }
0xa3: {  	s24 =	simm.s32 $0x1B8B  }
0xa4: {  	_ =	swait.ge [sflag:s24], $0x1  }
0xa5: {  	[sflag:s24] =	ssyncset.done $0x0  }
0xa6: {  	s25 =	simm.s32 $0x1B8E;
	[sflag:s24] =	ssyncadd.s32 $0xFFFFFFFF  }
0xa7: {  	s26 =	simm.s32 $execute0_lowered;
	[smem:$0x3FD2] =	sst s25  }
0xa8: {  	s6 =	sshll.u32 s26, $0x1;
	_ =	strace $0x80000046;
	[dreg:$0x1] =	wrdreg $0xFFFFFFFF  }
0xa9: {  	s28 =	simm.s32 $_size_execute0_lowered;
	s5 =	sadd.s32 s5, s6;
	[dreg:$0x0] =	wrdreg $0x0  }
0xaa: {  	s6 =	sshll.u32 s28, $0x1;
	[dreg:$0x2] =	wrdreg s5  }
0xab: {  	[dreg:$0x3] =	wrdreg s6  }
0xac: {  	[dreg:$0x4] =	wrdreg $0xC0  }
0xad: {  	_ =	task [dreg:s9], $0x5FFFF  }
0xae: {  	[dreg:$0x1] =	wrdreg $0xFFFFFFFF  }
0xaf: {  	[dreg:$0x0] =	wrdreg $0x60  }
0xb0: {  	[dreg:$0x2] =	wrdreg s2  }
0xb1: {  	[dreg:$0x3] =	wrdreg s19  }
0xb2: {  	[dreg:$0x4] =	wrdreg s4  }
0xb3: {  	[dreg:$0x5] =	wrdreg $0x9  }
0xb4: {  	_ =	task.clear_ibuf [dreg:s9], $0x6FFFF;
	_ =	strace $0x90000046  }
0xb5: {  	s29 =	simm.s32 $0x9;
	_ =	strace $0x80000048  }
0xb6: {  	_ =	swait.ge [sflag:s29], $0x1  }
0xb7: {  	[sflag:s29] =	ssyncadd.s32 $0xFFFFFFFF  }
0xb8: {  	_ =	strace $0x90000048  }
0xb9: {  	_ =	sfence  }
0xba: {  	s30 =	sld [smem:$0x0];
	_ =	sdelay $0x2  }
0xbb: {  	s31 =	sshll.u32 s1, $0xD;
	s1 =	sshrl.u32 s1, $0x2  }
0xbc: {  	s3 =	sand.u32 $0x4000, s31;
	s1 =	sadd.s32 s1, s30  }
0xbd: {  	s0 =	sor.u32 s3, s0;
	s1 =	sshll.u32 s1, $0x11  }
0xbe: {  	s0 =	sor.u32 s1, s0  }
0xbf: {  	s0 =	sadd.s32 $0x8F2B, s0  }
0xc0: {  	[sflag:s0] =	ssyncadd.remote.s32 $0x1  }
0xc1: {  	_ =	sfence.sel $0xFFFF  }
0xc2: {  	[dreg:$0x0] =	wrdreg $0xFFFFFFFF;
	(pc) =	sbr.abs _section_cstart, $3  }
0xc3: {  	[dreg:$0x1] =	wrdreg $0xFFFFFFFF  }
0xc4: {  	_ =	task.clear_ibuf [dreg:s9], $0x2FFFF;
	_ =	strace $0x9FFFFFFF  }
0xc5: {  	(tm) =	ssettm $0x7FFFFFFF  }
tec
execute0_lowered:
.L_overlay_start_1:
0x0: {  	(tag) =	ssettag $0x1  }
0x1: {  	s0 =	rddreg [dreg:$0x0]  }
0x2: {  	s1 =	rddreg [dreg:$0x1]  }
0x3: {  	s2 =	rddreg [dreg:$0x2];
	s3 =	simm.s32 $0x0;
	s4 =	srdreg.scid  }
0x4: {  	s6 =	stileid.u32;
	s11 =	simm.s32 $0x200;
	s12 =	simm.s32 $0x3  }
0x5: {  	s16 =	simm.s32 $0x17200;
	s17 =	simm.s32 $0x17A00;
	s18 =	simm.s32 $0x18200  }
0x6: {  	s19 =	simm.s32 $0x18A00;
	s20 =	simm.s32 $0x19200;
	s21 =	simm.s32 $0x19A00  }
0x7: {  	s22 =	simm.s32 $0x1A200;
	s23 =	simm.s32 $0x1AA00;
	s24 =	simm.s32 $0x1B200  }
0x8: {  	s25 =	simm.s32 $0x1BA00;
	s28 =	simm.s32 $0x2;
	s29 =	simm.s32 $0x0  }
0x9: {  	[smem:$0x7FF] =	sst s3;
	s4 =	sand.u32 $0x1, s4;
	s5 =	sshll.u32 s6, $0x1  }
0xa: {  	s26 =	sshll.u32 s6, $0x2;
	_ =	strace $0x80000047;
	s8 =	sor.u32 s4, s5  }
0xb: {  	s4 =	ssub.s32 $0x2, s4;
	s5 =	sand.u32 $0x30, s26;
	s26 =	simm.s32 $0x1  }
0xc: {  	s30 =	sshll.u32 s8, $0x8;
	s7 =	sshrl.u32 s4, $0x1;
	s0 =	sadd.s32 s0, s5  }
0xd: {  	v0 =	vlaneseq.u32;
	s5 =	sadd.s32 $0x100, s1;
	s31 =	sshll.u32 s8, $0x10;
	s6 =	sand.u32 $0x700, s30  }
0xe: {  	v1 =	vshrl.u32 v0, $0x3;
	s9 =	ssub.s32 s4, s7;
	s7 =	sadd.s32 $0x300, s1;
	s8 =	sadd.s32 s2, s31  }
0xf: {  	vm0 =	vmmov $0xffff;
	v0 =	vand.u32 $0x7, v0;
	v1 =	vmul.u32 $0x8, v1;
	s4 =	sadd.s32 s6, s0;
	s6 =	sadd.s32 $0x200, s1;
	s9 =	smax.u32 s9, $0x1  }
.LBB2_1:
0x10: {  	s0 =	simm.s32 $0x80  }
0x11: {  	[tilespmem:s3], [sflag:$0x3] =	stream.strided.gather [hbm4b:s4+s0], $0x200, s11, s0, $0x38;
	[tilespmem:$0x1E200] =	vst v63  }
0x12: {  	_ =	swait.ge [sflag:s12], $0x200  }
0x13: {  	[sflag:s12] =	ssyncset.done $0x0  }
0x14: {  	[sflag:s12] =	ssyncadd.s32 $0xFFFFFE00  }
0x15: {  	v2 =	vld.msk [tilespmem:$0x0], $0xff;
	_ =	sdelay $0x4  }
0x16: {  	v3 =	vshll.u32 v2, $0x3  }
0x17: {  	v2 =	vand.u32 $0x7, v2;
	v3 =	vand.u32 $0xFFFFFFC0, v3  }
0x18: {  	v2 =	vor.u32 v2, v3  }
0x19: {  	v2 =	vperm.xlane v2, v0;
	_ =	sdelay $0x1  }
0x1a: {  	v2 =	vadd.s32 v1, v2;
	_ =	sdelay $0x4  }
0x1b: {  	[tilespmem:s11], [sflag:$0x1] =	stream.indirect_vreg.gather [hbm4b:s1+s3], $0x80, v2, vm0, $0xb8;
	[tilespmem:$0x1E200] =	vst v63  }
0x1c: {  	s2 =	simm.s32 $0xA00  }
0x1d: {  	[tilespmem:s2], [sflag:$0x1] =	stream.indirect_vreg.gather [hbm4b:s5+s3], $0x80, v2, vm0, $0xb8;
	[tilespmem:$0x1E200] =	vst v63  }
0x1e: {  	s10 =	simm.s32 $0x1200  }
0x1f: {  	[tilespmem:s10], [sflag:$0x1] =	stream.indirect_vreg.gather [hbm4b:s6+s3], $0x80, v2, vm0, $0xb8;
	[tilespmem:$0x1E200] =	vst v63  }
0x20: {  	s13 =	simm.s32 $0x1A00  }
0x21: {  	[tilespmem:s13], [sflag:$0x1] =	stream.indirect_vreg.gather [hbm4b:s7+s3], $0x80, v2, vm0, $0xb8;
	[tilespmem:$0x1E200] =	vst v63  }
0x22: {  	v2 =	vld.msk [tilespmem:$0x8], $0xff;
	_ =	sdelay $0x4  }
0x23: {  	v3 =	vshll.u32 v2, $0x3  }
0x24: {  	v2 =	vand.u32 $0x7, v2;
	v3 =	vand.u32 $0xFFFFFFC0, v3  }
0x25: {  	v2 =	vor.u32 v2, v3  }
0x26: {  	v2 =	vperm.xlane v2, v0;
	_ =	sdelay $0x1  }
0x27: {  	v2 =	vadd.s32 v1, v2;
	_ =	sdelay $0x3  }
0x28: {  	s14 =	simm.s32 $0x2200  }
0x29: {  	[tilespmem:s14], [sflag:$0x1] =	stream.indirect_vreg.gather [hbm4b:s1+s3], $0x80, v2, vm0, $0xb8;
	[tilespmem:$0x1E200] =	vst v63  }
0x2a: {  	s15 =	simm.s32 $0x2A00  }
0x2b: {  	[tilespmem:s15], [sflag:$0x1] =	stream.indirect_vreg.gather [hbm4b:s5+s3], $0x80, v2, vm0, $0xb8;
	[tilespmem:$0x1E200] =	vst v63  }
0x2c: {  	s2 =	simm.s32 $0x3200  }
0x2d: {  	[tilespmem:s2], [sflag:$0x1] =	stream.indirect_vreg.gather [hbm4b:s6+s3], $0x80, v2, vm0, $0xb8;
	[tilespmem:$0x1E200] =	vst v63  }
0x2e: {  	s10 =	simm.s32 $0x3A00  }
0x2f: {  	[tilespmem:s10], [sflag:$0x1] =	stream.indirect_vreg.gather [hbm4b:s7+s3], $0x80, v2, vm0, $0xb8;
	[tilespmem:$0x1E200] =	vst v63  }
0x30: {  	v2 =	vld.msk [tilespmem:$0x10], $0xff;
	_ =	sdelay $0x4  }
0x31: {  	v3 =	vshll.u32 v2, $0x3  }
0x32: {  	v2 =	vand.u32 $0x7, v2;
	v3 =	vand.u32 $0xFFFFFFC0, v3  }
0x33: {  	v2 =	vor.u32 v2, v3  }
0x34: {  	v2 =	vperm.xlane v2, v0;
	_ =	sdelay $0x1  }
0x35: {  	v2 =	vadd.s32 v1, v2;
	_ =	sdelay $0x3  }
0x36: {  	s13 =	simm.s32 $0x4200  }
0x37: {  	[tilespmem:s13], [sflag:$0x1] =	stream.indirect_vreg.gather [hbm4b:s1+s3], $0x80, v2, vm0, $0xb8;
	[tilespmem:$0x1E200] =	vst v63  }
0x38: {  	s14 =	simm.s32 $0x4A00  }
0x39: {  	[tilespmem:s14], [sflag:$0x1] =	stream.indirect_vreg.gather [hbm4b:s5+s3], $0x80, v2, vm0, $0xb8;
	[tilespmem:$0x1E200] =	vst v63  }
0x3a: {  	s15 =	simm.s32 $0x5200  }
0x3b: {  	[tilespmem:s15], [sflag:$0x1] =	stream.indirect_vreg.gather [hbm4b:s6+s3], $0x80, v2, vm0, $0xb8;
	[tilespmem:$0x1E200] =	vst v63  }
0x3c: {  	s2 =	simm.s32 $0x5A00  }
0x3d: {  	[tilespmem:s2], [sflag:$0x1] =	stream.indirect_vreg.gather [hbm4b:s7+s3], $0x80, v2, vm0, $0xb8;
	[tilespmem:$0x1E200] =	vst v63  }
0x3e: {  	v2 =	vld.msk [tilespmem:$0x18], $0xff;
	_ =	sdelay $0x4  }
0x3f: {  	v3 =	vshll.u32 v2, $0x3  }
0x40: {  	v2 =	vand.u32 $0x7, v2;
	v3 =	vand.u32 $0xFFFFFFC0, v3  }
0x41: {  	v2 =	vor.u32 v2, v3  }
0x42: {  	v2 =	vperm.xlane v2, v0;
	_ =	sdelay $0x1  }
0x43: {  	v2 =	vadd.s32 v1, v2;
	_ =	sdelay $0x3  }
0x44: {  	s10 =	simm.s32 $0x6200  }
0x45: {  	[tilespmem:s10], [sflag:$0x1] =	stream.indirect_vreg.gather [hbm4b:s1+s3], $0x80, v2, vm0, $0xb8;
	[tilespmem:$0x1E200] =	vst v63  }
0x46: {  	s13 =	simm.s32 $0x6A00  }
0x47: {  	[tilespmem:s13], [sflag:$0x1] =	stream.indirect_vreg.gather [hbm4b:s5+s3], $0x80, v2, vm0, $0xb8;
	[tilespmem:$0x1E200] =	vst v63  }
0x48: {  	s14 =	simm.s32 $0x7200  }
0x49: {  	[tilespmem:s14], [sflag:$0x1] =	stream.indirect_vreg.gather [hbm4b:s6+s3], $0x80, v2, vm0, $0xb8;
	[tilespmem:$0x1E200] =	vst v63  }
0x4a: {  	s15 =	simm.s32 $0x7A00  }
0x4b: {  	[tilespmem:s15], [sflag:$0x1] =	stream.indirect_vreg.gather [hbm4b:s7+s3], $0x80, v2, vm0, $0xb8;
	[tilespmem:$0x1E200] =	vst v63  }
0x4c: {  	v2 =	vld.msk [tilespmem:$0x20], $0xff;
	_ =	sdelay $0x4  }
0x4d: {  	v3 =	vshll.u32 v2, $0x3  }
0x4e: {  	v2 =	vand.u32 $0x7, v2;
	v3 =	vand.u32 $0xFFFFFFC0, v3  }
0x4f: {  	v2 =	vor.u32 v2, v3  }
0x50: {  	v2 =	vperm.xlane v2, v0;
	_ =	sdelay $0x1  }
0x51: {  	v2 =	vadd.s32 v1, v2;
	_ =	sdelay $0x3  }
0x52: {  	s2 =	simm.s32 $0x8200  }
0x53: {  	[tilespmem:s2], [sflag:$0x1] =	stream.indirect_vreg.gather [hbm4b:s1+s3], $0x80, v2, vm0, $0xb8;
	[tilespmem:$0x1E200] =	vst v63  }
0x54: {  	s10 =	simm.s32 $0x8A00  }
0x55: {  	[tilespmem:s10], [sflag:$0x1] =	stream.indirect_vreg.gather [hbm4b:s5+s3], $0x80, v2, vm0, $0xb8;
	[tilespmem:$0x1E200] =	vst v63  }
0x56: {  	s13 =	simm.s32 $0x9200  }
0x57: {  	[tilespmem:s13], [sflag:$0x1] =	stream.indirect_vreg.gather [hbm4b:s6+s3], $0x80, v2, vm0, $0xb8;
	[tilespmem:$0x1E200] =	vst v63  }
0x58: {  	s14 =	simm.s32 $0x9A00  }
0x59: {  	[tilespmem:s14], [sflag:$0x1] =	stream.indirect_vreg.gather [hbm4b:s7+s3], $0x80, v2, vm0, $0xb8;
	[tilespmem:$0x1E200] =	vst v63  }
0x5a: {  	v2 =	vld.msk [tilespmem:$0x28], $0xff;
	_ =	sdelay $0x4  }
0x5b: {  	v3 =	vshll.u32 v2, $0x3  }
0x5c: {  	v2 =	vand.u32 $0x7, v2;
	v3 =	vand.u32 $0xFFFFFFC0, v3  }
0x5d: {  	v2 =	vor.u32 v2, v3  }
0x5e: {  	v2 =	vperm.xlane v2, v0;
	_ =	sdelay $0x1  }
0x5f: {  	v2 =	vadd.s32 v1, v2;
	_ =	sdelay $0x3  }
0x60: {  	s15 =	simm.s32 $0xA200  }
0x61: {  	[tilespmem:s15], [sflag:$0x1] =	stream.indirect_vreg.gather [hbm4b:s1+s3], $0x80, v2, vm0, $0xb8;
	[tilespmem:$0x1E200] =	vst v63  }
0x62: {  	s2 =	simm.s32 $0xAA00  }
0x63: {  	[tilespmem:s2], [sflag:$0x1] =	stream.indirect_vreg.gather [hbm4b:s5+s3], $0x80, v2, vm0, $0xb8;
	[tilespmem:$0x1E200] =	vst v63  }
0x64: {  	s10 =	simm.s32 $0xB200  }
0x65: {  	[tilespmem:s10], [sflag:$0x1] =	stream.indirect_vreg.gather [hbm4b:s6+s3], $0x80, v2, vm0, $0xb8;
	[tilespmem:$0x1E200] =	vst v63  }
0x66: {  	s13 =	simm.s32 $0xBA00  }
0x67: {  	[tilespmem:s13], [sflag:$0x1] =	stream.indirect_vreg.gather [hbm4b:s7+s3], $0x80, v2, vm0, $0xb8;
	[tilespmem:$0x1E200] =	vst v63  }
0x68: {  	v2 =	vld.msk [tilespmem:$0x30], $0xff;
	_ =	sdelay $0x4  }
0x69: {  	v3 =	vshll.u32 v2, $0x3  }
0x6a: {  	v2 =	vand.u32 $0x7, v2;
	v3 =	vand.u32 $0xFFFFFFC0, v3  }
0x6b: {  	v2 =	vor.u32 v2, v3  }
0x6c: {  	v2 =	vperm.xlane v2, v0;
	_ =	sdelay $0x1  }
0x6d: {  	v2 =	vadd.s32 v1, v2;
	_ =	sdelay $0x3  }
0x6e: {  	s14 =	simm.s32 $0xC200  }
0x6f: {  	[tilespmem:s14], [sflag:$0x1] =	stream.indirect_vreg.gather [hbm4b:s1+s3], $0x80, v2, vm0, $0xb8;
	[tilespmem:$0x1E200] =	vst v63  }
0x70: {  	s15 =	simm.s32 $0xCA00  }
0x71: {  	[tilespmem:s15], [sflag:$0x1] =	stream.indirect_vreg.gather [hbm4b:s5+s3], $0x80, v2, vm0, $0xb8;
	[tilespmem:$0x1E200] =	vst v63  }
0x72: {  	s2 =	simm.s32 $0xD200  }
0x73: {  	[tilespmem:s2], [sflag:$0x1] =	stream.indirect_vreg.gather [hbm4b:s6+s3], $0x80, v2, vm0, $0xb8;
	[tilespmem:$0x1E200] =	vst v63  }
0x74: {  	s10 =	simm.s32 $0xDA00  }
0x75: {  	[tilespmem:s10], [sflag:$0x1] =	stream.indirect_vreg.gather [hbm4b:s7+s3], $0x80, v2, vm0, $0xb8;
	[tilespmem:$0x1E200] =	vst v63  }
0x76: {  	v2 =	vld.msk [tilespmem:$0x38], $0xff;
	_ =	sdelay $0x4  }
0x77: {  	v3 =	vshll.u32 v2, $0x3  }
0x78: {  	v2 =	vand.u32 $0x7, v2;
	v3 =	vand.u32 $0xFFFFFFC0, v3  }
0x79: {  	v2 =	vor.u32 v2, v3  }
0x7a: {  	v2 =	vperm.xlane v2, v0;
	_ =	sdelay $0x1  }
0x7b: {  	v2 =	vadd.s32 v1, v2;
	_ =	sdelay $0x3  }
0x7c: {  	s13 =	simm.s32 $0xE200  }
0x7d: {  	[tilespmem:s13], [sflag:$0x1] =	stream.indirect_vreg.gather [hbm4b:s1+s3], $0x80, v2, vm0, $0xb8;
	[tilespmem:$0x1E200] =	vst v63  }
0x7e: {  	s14 =	simm.s32 $0xEA00  }
0x7f: {  	[tilespmem:s14], [sflag:$0x1] =	stream.indirect_vreg.gather [hbm4b:s5+s3], $0x80, v2, vm0, $0xb8;
	[tilespmem:$0x1E200] =	vst v63  }
0x80: {  	s15 =	simm.s32 $0xF200  }
0x81: {  	[tilespmem:s15], [sflag:$0x1] =	stream.indirect_vreg.gather [hbm4b:s6+s3], $0x80, v2, vm0, $0xb8;
	[tilespmem:$0x1E200] =	vst v63  }
0x82: {  	s2 =	simm.s32 $0xFA00  }
0x83: {  	[tilespmem:s2], [sflag:$0x1] =	stream.indirect_vreg.gather [hbm4b:s7+s3], $0x80, v2, vm0, $0xb8;
	[tilespmem:$0x1E200] =	vst v63  }
0x84: {  	v2 =	vld.msk [tilespmem:$0x40], $0xff;
	_ =	sdelay $0x4  }
0x85: {  	v3 =	vshll.u32 v2, $0x3  }
0x86: {  	v2 =	vand.u32 $0x7, v2;
	v3 =	vand.u32 $0xFFFFFFC0, v3  }
0x87: {  	v2 =	vor.u32 v2, v3  }
0x88: {  	v2 =	vperm.xlane v2, v0;
	_ =	sdelay $0x1  }
0x89: {  	v2 =	vadd.s32 v1, v2;
	_ =	sdelay $0x3  }
0x8a: {  	s10 =	simm.s32 $0x10200  }
0x8b: {  	[tilespmem:s10], [sflag:$0x1] =	stream.indirect_vreg.gather [hbm4b:s1+s3], $0x80, v2, vm0, $0xb8;
	[tilespmem:$0x1E200] =	vst v63  }
0x8c: {  	s13 =	simm.s32 $0x10A00  }
0x8d: {  	[tilespmem:s13], [sflag:$0x1] =	stream.indirect_vreg.gather [hbm4b:s5+s3], $0x80, v2, vm0, $0xb8;
	[tilespmem:$0x1E200] =	vst v63  }
0x8e: {  	s14 =	simm.s32 $0x11200  }
0x8f: {  	[tilespmem:s14], [sflag:$0x1] =	stream.indirect_vreg.gather [hbm4b:s6+s3], $0x80, v2, vm0, $0xb8;
	[tilespmem:$0x1E200] =	vst v63  }
0x90: {  	s15 =	simm.s32 $0x11A00  }
0x91: {  	[tilespmem:s15], [sflag:$0x1] =	stream.indirect_vreg.gather [hbm4b:s7+s3], $0x80, v2, vm0, $0xb8;
	[tilespmem:$0x1E200] =	vst v63  }
0x92: {  	v2 =	vld.msk [tilespmem:$0x48], $0xff;
	_ =	sdelay $0x4  }
0x93: {  	v3 =	vshll.u32 v2, $0x3  }
0x94: {  	v2 =	vand.u32 $0x7, v2;
	v3 =	vand.u32 $0xFFFFFFC0, v3  }
0x95: {  	v2 =	vor.u32 v2, v3  }
0x96: {  	v2 =	vperm.xlane v2, v0;
	_ =	sdelay $0x1  }
0x97: {  	v2 =	vadd.s32 v1, v2;
	_ =	sdelay $0x3  }
0x98: {  	s2 =	simm.s32 $0x12200  }
0x99: {  	[tilespmem:s2], [sflag:$0x1] =	stream.indirect_vreg.gather [hbm4b:s1+s3], $0x80, v2, vm0, $0xb8;
	[tilespmem:$0x1E200] =	vst v63  }
0x9a: {  	s10 =	simm.s32 $0x12A00  }
0x9b: {  	[tilespmem:s10], [sflag:$0x1] =	stream.indirect_vreg.gather [hbm4b:s5+s3], $0x80, v2, vm0, $0xb8;
	[tilespmem:$0x1E200] =	vst v63  }
0x9c: {  	s13 =	simm.s32 $0x13200  }
0x9d: {  	[tilespmem:s13], [sflag:$0x1] =	stream.indirect_vreg.gather [hbm4b:s6+s3], $0x80, v2, vm0, $0xb8;
	[tilespmem:$0x1E200] =	vst v63  }
0x9e: {  	s14 =	simm.s32 $0x13A00  }
0x9f: {  	[tilespmem:s14], [sflag:$0x1] =	stream.indirect_vreg.gather [hbm4b:s7+s3], $0x80, v2, vm0, $0xb8;
	[tilespmem:$0x1E200] =	vst v63  }
0xa0: {  	v2 =	vld.msk [tilespmem:$0x50], $0xff;
	_ =	sdelay $0x4  }
0xa1: {  	v3 =	vshll.u32 v2, $0x3  }
0xa2: {  	v2 =	vand.u32 $0x7, v2;
	v3 =	vand.u32 $0xFFFFFFC0, v3  }
0xa3: {  	v2 =	vor.u32 v2, v3  }
0xa4: {  	v2 =	vperm.xlane v2, v0;
	_ =	sdelay $0x1  }
0xa5: {  	v2 =	vadd.s32 v1, v2;
	_ =	sdelay $0x3  }
0xa6: {  	s15 =	simm.s32 $0x14200  }
0xa7: {  	[tilespmem:s15], [sflag:$0x1] =	stream.indirect_vreg.gather [hbm4b:s1+s3], $0x80, v2, vm0, $0xb8;
	[tilespmem:$0x1E200] =	vst v63  }
0xa8: {  	s2 =	simm.s32 $0x14A00  }
0xa9: {  	[tilespmem:s2], [sflag:$0x1] =	stream.indirect_vreg.gather [hbm4b:s5+s3], $0x80, v2, vm0, $0xb8;
	[tilespmem:$0x1E200] =	vst v63  }
0xaa: {  	s10 =	simm.s32 $0x15200  }
0xab: {  	[tilespmem:s10], [sflag:$0x1] =	stream.indirect_vreg.gather [hbm4b:s6+s3], $0x80, v2, vm0, $0xb8;
	[tilespmem:$0x1E200] =	vst v63  }
0xac: {  	s13 =	simm.s32 $0x15A00  }
0xad: {  	[tilespmem:s13], [sflag:$0x1] =	stream.indirect_vreg.gather [hbm4b:s7+s3], $0x80, v2, vm0, $0xb8;
	[tilespmem:$0x1E200] =	vst v63  }
0xae: {  	v2 =	vld.msk [tilespmem:$0x58], $0xff;
	_ =	sdelay $0x4  }
0xaf: {  	v3 =	vshll.u32 v2, $0x3  }
0xb0: {  	v2 =	vand.u32 $0x7, v2;
	v3 =	vand.u32 $0xFFFFFFC0, v3  }
0xb1: {  	v2 =	vor.u32 v2, v3  }
0xb2: {  	v2 =	vperm.xlane v2, v0;
	_ =	sdelay $0x1  }
0xb3: {  	v2 =	vadd.s32 v1, v2;
	_ =	sdelay $0x3  }
0xb4: {  	s14 =	simm.s32 $0x16200  }
0xb5: {  	[tilespmem:s14], [sflag:$0x1] =	stream.indirect_vreg.gather [hbm4b:s1+s3], $0x80, v2, vm0, $0xb8;
	[tilespmem:$0x1E200] =	vst v63  }
0xb6: {  	s15 =	simm.s32 $0x16A00  }
0xb7: {  	[tilespmem:s15], [sflag:$0x1] =	stream.indirect_vreg.gather [hbm4b:s5+s3], $0x80, v2, vm0, $0xb8;
	[tilespmem:$0x1E200] =	vst v63  }
0xb8: {  	_ = 	snop  }
0xb9: {  	[tilespmem:s16], [sflag:$0x1] =	stream.indirect_vreg.gather [hbm4b:s6+s3], $0x80, v2, vm0, $0xb8;
	[tilespmem:$0x1E200] =	vst v63  }
0xba: {  	_ = 	snop  }
0xbb: {  	[tilespmem:s17], [sflag:$0x1] =	stream.indirect_vreg.gather [hbm4b:s7+s3], $0x80, v2, vm0, $0xb8;
	[tilespmem:$0x1E200] =	vst v63  }
0xbc: {  	v2 =	vld.msk [tilespmem:$0x60], $0xff;
	_ =	sdelay $0x4  }
0xbd: {  	v3 =	vshll.u32 v2, $0x3  }
0xbe: {  	v2 =	vand.u32 $0x7, v2;
	v3 =	vand.u32 $0xFFFFFFC0, v3  }
0xbf: {  	v2 =	vor.u32 v2, v3  }
0xc0: {  	v2 =	vperm.xlane v2, v0;
	_ =	sdelay $0x1  }
0xc1: {  	v2 =	vadd.s32 v1, v2;
	_ =	sdelay $0x4  }
0xc2: {  	[tilespmem:s18], [sflag:$0x1] =	stream.indirect_vreg.gather [hbm4b:s1+s3], $0x80, v2, vm0, $0xb8;
	[tilespmem:$0x1E200] =	vst v63  }
0xc3: {  	_ = 	snop  }
0xc4: {  	[tilespmem:s19], [sflag:$0x1] =	stream.indirect_vreg.gather [hbm4b:s5+s3], $0x80, v2, vm0, $0xb8;
	[tilespmem:$0x1E200] =	vst v63  }
0xc5: {  	_ = 	snop  }
0xc6: {  	[tilespmem:s20], [sflag:$0x1] =	stream.indirect_vreg.gather [hbm4b:s6+s3], $0x80, v2, vm0, $0xb8;
	[tilespmem:$0x1E200] =	vst v63  }
0xc7: {  	_ = 	snop  }
0xc8: {  	[tilespmem:s21], [sflag:$0x1] =	stream.indirect_vreg.gather [hbm4b:s7+s3], $0x80, v2, vm0, $0xb8;
	[tilespmem:$0x1E200] =	vst v63  }
0xc9: {  	v2 =	vld.msk [tilespmem:$0x68], $0xff;
	_ =	sdelay $0x4  }
0xca: {  	v3 =	vshll.u32 v2, $0x3  }
0xcb: {  	v2 =	vand.u32 $0x7, v2;
	v3 =	vand.u32 $0xFFFFFFC0, v3  }
0xcc: {  	v2 =	vor.u32 v2, v3  }
0xcd: {  	v2 =	vperm.xlane v2, v0;
	_ =	sdelay $0x1  }
0xce: {  	v2 =	vadd.s32 v1, v2;
	_ =	sdelay $0x4  }
0xcf: {  	[tilespmem:s22], [sflag:$0x1] =	stream.indirect_vreg.gather [hbm4b:s1+s3], $0x80, v2, vm0, $0xb8;
	[tilespmem:$0x1E200] =	vst v63  }
0xd0: {  	_ = 	snop  }
0xd1: {  	[tilespmem:s23], [sflag:$0x1] =	stream.indirect_vreg.gather [hbm4b:s5+s3], $0x80, v2, vm0, $0xb8;
	[tilespmem:$0x1E200] =	vst v63  }
0xd2: {  	_ = 	snop  }
0xd3: {  	[tilespmem:s24], [sflag:$0x1] =	stream.indirect_vreg.gather [hbm4b:s6+s3], $0x80, v2, vm0, $0xb8;
	[tilespmem:$0x1E200] =	vst v63  }
0xd4: {  	s30 =	simm.s32 $0x670;
	s31 =	simm.s32 $0x0  }
0xd5: {  	[tilespmem:s25], [sflag:$0x1] =	stream.indirect_vreg.gather [hbm4b:s7+s3], $0x80, v2, vm0, $0xb8;
	[tilespmem:$0x1E200] =	vst v63  }
.LBB2_2:
0xd6: {  	p0 =	sgt.u32 s31, $0x31  }
0xd7: {  	p1 =	seq.s32 @!p0 s31, $0x0  }
0xd8: {  	p1 =	por p1, p0  }
0xd9: {  	s0 =	simm.s32 @!p1 $0x2  }
0xda: {  	s2 =	sadd.s32 $0xE, s31;
	_ =	swait.ge @!p1 [sflag:s0], $0x2000  }
0xdb: {  	s10 =	sshll.u32 @!p0 s2, $0x3;
	[sflag:s0] =	ssyncset.done @!p1 $0x0  }
0xdc: {  	[sflag:s0] =	ssyncadd.s32 @!p1 $0xFFFFE000;
	s0 =	sand.u32 @!p0 $0x3FFFFFF8, s10  }
0xdd: {  	v2 =	vld.msk @!p0 [tilespmem:s0+$0x0], $0xff;
	_ =	sdelay $0x4  }
0xde: {  	s14 =	smul.u32 $0x89, s2;
	v3 =	vshll.u32 @!p0 v2, $0x3  }
0xdf: {  	v4 =	vlaneseq.u32 @!p0;
	v2 =	vand.u32 @!p0 $0x7, v2;
	v3 =	vand.u32 @!p0 $0xFFFFFFC0, v3  }
0xe0: {  	s0 =	sshrl.u32 s14, $0xB;
	v2 =	vor.u32 @!p0 v2, v3;
	v3 =	vand.u32 @!p0 $0x7, v4;
	v4 =	vshrl.u32 @!p0 v4, $0x3  }
0xe1: {  	s0 =	sand.u32 $0x1F, s0;
	v2 =	vperm.xlane @!p0 v2, v3;
	v3 =	vmul.u32 @!p0 $0x8, v4  }
0xe2: {  	s0 =	smul.u32 $0xF, s0  }
0xe3: {  	v2 =	vadd.s32 @!p0 v3, v2  }
0xe4: {  	s0 =	ssub.s32 s2, s0  }
0xe5: {  	s0 =	sand.u32 $0xFF, s0  }
0xe6: {  	s0 =	sshll.u32 @!p0 s0, $0xD  }
0xe7: {  	s15 =	smulhi.u32 $0x88888889, s31;
	vm1 =	vmmov @!p0 $0xffff;
	s10 =	simm.s32 @!p0 $0x0;
	s2 =	sor.u32 @!p0 $0x200, s0  }
0xe8: {  	[tilespmem:s2], [sflag:$0x1] =	stream.indirect_vreg.gather @!p0 [hbm4b:s1+s10], $0x80, v2, vm1, $0xb8;
	[tilespmem:$0x1E200] =	vst v63  }
0xe9: {  	s14 =	smul.u32 $0x89, s31;
	s13 =	sor.u32 @!p0 $0xA00, s0  }
0xea: {  	[tilespmem:s13], [sflag:$0x1] =	stream.indirect_vreg.gather @!p0 [hbm4b:s5+s10], $0x80, v2, vm1, $0xb8;
	[tilespmem:$0x1E200] =	vst v63  }
0xeb: {  	s14 =	sshrl.u32 s14, $0xB;
	s2 =	sshrl.u32 s15, $0x3;
	s13 =	sor.u32 @!p0 $0x1200, s0  }
0xec: {  	[tilespmem:s13], [sflag:$0x1] =	stream.indirect_vreg.gather @!p0 [hbm4b:s6+s10], $0x80, v2, vm1, $0xb8;
	[tilespmem:$0x1E200] =	vst v63  }
0xed: {  	s2 =	smul.u32 $0xFFF88000, s2;
	s13 =	sand.u32 $0x1F, s14  }
0xee: {  	s0 =	sor.u32 @!p0 $0x1A00, s0;
	s13 =	smul.u32 $0xF, s13  }
0xef: {  	[tilespmem:s0], [sflag:$0x1] =	stream.indirect_vreg.gather @!p0 [hbm4b:s7+s10], $0x80, v2, vm1, $0xb8;
	[tilespmem:$0x1E200] =	vst v63  }
0xf0: {  	s15 =	ssub.s32 s31, s13  }
0xf1: {  	s2 =	sshra.s32 s2, $0x2;
	_ =	swait.ge [sflag:s26], $0x2000;
	s0 =	sand.u32 $0xFF, s15  }
0xf2: {  	s10 =	simm.s32 $0x0;
	[sflag:s26] =	ssyncset.done $0x0;
	s0 =	sshll.u32 s0, $0xD  }
0xf3: {  	s13 =	sadd.s32 s2, s30;
	[sflag:s26] =	ssyncadd.s32 $0xFFFFE000;
	s2 =	sor.u32 $0x200, s0  }
.LBB2_3:
0xf4: {  	v2 =	vld [tilespmem:s13+$0xFFFFFB90]  }
0xf5: {  	v3 =	vld [tilespmem:s13+$0xFFFFFBA0]  }
0xf6: {  	v4 =	vld [tilespmem:s13+$0xFFFFFBB0]  }
0xf7: {  	v5 =	vld [tilespmem:s13+$0xFFFFFBC0]  }
0xf8: {  	v6 =	vld [tilespmem:s13+$0xFFFFFBD0]  }
0xf9: {  	v7 =	vld [tilespmem:s13+$0xFFFFFBE0];
	v2 =	vmul.f32 $3.200000000e+01, v2  }
0xfa: {  	v8 =	vld [tilespmem:s13+$0xFFFFFBF0];
	v3 =	vmul.f32 $3.200000000e+01, v3  }
0xfb: {  	[tilespmem:s13+$0xFFFFFB90] =	vst v2;
	v2 =	vmul.f32 $3.200000000e+01, v4;
	v4 =	vld [tilespmem:s13+$0xFFFFFC00]  }
0xfc: {  	[tilespmem:s13+$0xFFFFFBA0] =	vst v3;
	v3 =	vmul.f32 $3.200000000e+01, v5;
	v5 =	vld [tilespmem:s13+$0xFFFFFF90]  }
0xfd: {  	[tilespmem:s13+$0xFFFFFBB0] =	vst v2;
	v2 =	vmul.f32 $3.200000000e+01, v6;
	v6 =	vld [tilespmem:s13+$0xFFFFFFA0]  }
0xfe: {  	v9 =	vld [tilespmem:s13+$0xFFFFFFB0];
	[tilespmem:s13+$0xFFFFFBC0] =	vst v3;
	v3 =	vmul.f32 $3.200000000e+01, v7  }
0xff: {  	v7 =	vmul.f32 $3.200000000e+01, v8;
	[tilespmem:s13+$0xFFFFFBD0] =	vst v2;
	v2 =	vld [tilespmem:s13+$0xFFFFFFC0]  }
0x100: {  	[tilespmem:s13+$0xFFFFFBE0] =	vst v3;
	v3 =	vld [tilespmem:s13+$0xFFFFFFD0];
	v8 =	vmul.f32 $3.200000000e+01, v4  }
0x101: {  	[tilespmem:s13+$0xFFFFFBF0] =	vst v7;
	v10 =	vmul.f32 $3.200000000e+01, v5;
	v4 =	vld [tilespmem:s13+$0xFFFFFFE0]  }
0x102: {  	v5 =	vld [tilespmem:s13+$0x0];
	[tilespmem:s13+$0xFFFFFC00] =	vst v8;
	v7 =	vmul.f32 $3.200000000e+01, v6  }
0x103: {  	s14 =	simm.s32 $0x0;
	s15 =	sadd.s32 $0x800, s13;
	s0 =	smov.u32 s13;
	[tilespmem:s13+$0xFFFFFF90] =	vst v10;
	v8 =	vmul.f32 $3.200000000e+01, v9;
	v6 =	vld [tilespmem:s13+$0xFFFFFFF0]  }
.LBB2_4:
0x104: {  	v9 =	vld [tilespmem:s15+$0xFFFFFB90];
	[tilespmem:s0+$0xFFFFFFA0] =	vst v7;
	v2 =	vmul.f32 $3.200000000e+01, v2  }
0x105: {  	v7 =	vld [tilespmem:s15+$0xFFFFFBA0];
	[tilespmem:s0+$0xFFFFFFB0] =	vst v8;
	v3 =	vmul.f32 $3.200000000e+01, v3  }
0x106: {  	v8 =	vld [tilespmem:s15+$0xFFFFFBB0];
	[tilespmem:s0+$0xFFFFFFC0] =	vst v2;
	v2 =	vmul.f32 $3.200000000e+01, v4  }
0x107: {  	v4 =	vld [tilespmem:s15+$0xFFFFFBC0];
	[tilespmem:s0+$0xFFFFFFD0] =	vst v3;
	v3 =	vmul.f32 $3.200000000e+01, v5  }
0x108: {  	v5 =	vld [tilespmem:s15+$0xFFFFFBD0];
	[tilespmem:s0+$0xFFFFFFE0] =	vst v2;
	v2 =	vmul.f32 $3.200000000e+01, v6  }
0x109: {  	v6 =	vmul.f32 $3.200000000e+01, v9;
	v9 =	vld [tilespmem:s15+$0xFFFFFBE0];
	[tilespmem:s0+$0x0] =	vst v3  }
0x10a: {  	v3 =	vmul.f32 $3.200000000e+01, v7;
	v7 =	vld [tilespmem:s15+$0xFFFFFBF0];
	[tilespmem:s0+$0xFFFFFFF0] =	vst v2;
	s0 =	smov.u32 s15  }
0x10b: {  	[tilespmem:s15+$0xFFFFFB90] =	vst v6;
	v2 =	vmul.f32 $3.200000000e+01, v8;
	v6 =	vld [tilespmem:s15+$0xFFFFFC00]  }
0x10c: {  	[tilespmem:s15+$0xFFFFFBA0] =	vst v3;
	v3 =	vmul.f32 $3.200000000e+01, v4;
	v4 =	vld [tilespmem:s15+$0xFFFFFF90]  }
0x10d: {  	s14 =	sadd.s32 $0x10, s14;
	[tilespmem:s15+$0xFFFFFBB0] =	vst v2;
	v2 =	vmul.f32 $3.200000000e+01, v5;
	v5 =	vld [tilespmem:s15+$0xFFFFFFA0]  }
0x10e: {  	p0 =	slt.u32 s14, $0x30;
	[tilespmem:s15+$0xFFFFFBC0] =	vst v3;
	v3 =	vmul.f32 $3.200000000e+01, v9;
	v8 =	vld [tilespmem:s15+$0xFFFFFFB0]  }
.Ltmp0:
0x10f: {  	[tilespmem:s15+$0xFFFFFBD0] =	vst v2;
	v7 =	vmul.f32 $3.200000000e+01, v7;
	v2 =	vld [tilespmem:s15+$0xFFFFFFC0];
	(pc) =	sbr.rel @p0 .LBB2_4-.Ltmp0, $4  }
0x110: {  	[tilespmem:s15+$0xFFFFFBE0] =	vst v3;
	v6 =	vmul.f32 $3.200000000e+01, v6;
	v3 =	vld [tilespmem:s15+$0xFFFFFFD0]  }
0x111: {  	[tilespmem:s15+$0xFFFFFBF0] =	vst v7;
	v9 =	vmul.f32 $3.200000000e+01, v4;
	v4 =	vld [tilespmem:s15+$0xFFFFFFE0]  }
0x112: {  	[tilespmem:s15+$0xFFFFFC00] =	vst v6;
	v7 =	vmul.f32 $3.200000000e+01, v5;
	v5 =	vld [tilespmem:s15+$0x0]  }
0x113: {  	s15 =	sadd.s32 $0x800, s15;
	[tilespmem:s0+$0xFFFFFF90] =	vst v9;
	v8 =	vmul.f32 $3.200000000e+01, v8;
	v6 =	vld [tilespmem:s0+$0xFFFFFFF0]  }
0x114: {  	[tilespmem:s0+$0xFFFFFFA0] =	vst v7;
	v2 =	vmul.f32 $3.200000000e+01, v2;
	s10 =	sadd.s32 $0x1, s10  }
0x115: {  	[tilespmem:s0+$0xFFFFFFB0] =	vst v8;
	v3 =	vmul.f32 $3.200000000e+01, v3;
	p0 =	sne.s32 s10, $0x8  }
.Ltmp1:
0x116: {  	[tilespmem:s0+$0xFFFFFFC0] =	vst v2;
	v2 =	vmul.f32 $3.200000000e+01, v4;
	(pc) =	sbr.rel @p0 .LBB2_3-.Ltmp1, $4  }
0x117: {  	[tilespmem:s0+$0xFFFFFFD0] =	vst v3;
	v3 =	vmul.f32 $3.200000000e+01, v5  }
0x118: {  	[tilespmem:s0+$0xFFFFFFE0] =	vst v2;
	v2 =	vmul.f32 $3.200000000e+01, v6  }
0x119: {  	[tilespmem:s0+$0x0] =	vst v3  }
0x11a: {  	s13 =	sadd.s32 $0x80, s13;
	[tilespmem:s0+$0xFFFFFFF0] =	vst v2  }
0x11b: {  	s0 =	sshll.u32 s31, $0xA;
	s31 =	sadd.s32 $0x1, s31  }
0x11c: {  	p0 =	sne.s32 s31, $0x40  }
.Ltmp2:
0x11d: {  	_ = 	snop;
	(pc) =	sbr.rel @p0 .LBB2_2-.Ltmp2, $3  }
0x11e: {  	_ =	sdelay $0x1  }
0x11f: {  	s30 =	sadd.s32 $0x2000, s30;
	s0 =	sadd.s32 s0, s8  }
0x120: {  	[hbm4b:s0+s3] =	stream.linear.scatter [tilespmem:s2], [sflag:$0x2], $0x2000, $0x38;
	[tilespmem:$0x1E200] =	vst v63  }
0x121: {  	_ =	swait.ge [sflag:s28], $0x2000  }
0x122: {  	[sflag:s28] =	ssyncset.done $0x0  }
0x123: {  	[sflag:s28] =	ssyncadd.s32 $0xFFFFE000  }
0x124: {  	_ =	swait.ge [sflag:s28], $0x2000  }
0x125: {  	[sflag:s28] =	ssyncset.done $0x0  }
0x126: {  	[sflag:s28] =	ssyncadd.s32 $0xFFFFE000  }
0x127: {  	_ =	swait.ge [sflag:s28], $0x2000  }
0x128: {  	[sflag:s28] =	ssyncset.done $0x0  }
0x129: {  	[sflag:s28] =	ssyncadd.s32 $0xFFFFE000  }
0x12a: {  	_ =	swait.ge [sflag:s28], $0x2000  }
0x12b: {  	[sflag:s28] =	ssyncset.done $0x0  }
0x12c: {  	[sflag:s28] =	ssyncadd.s32 $0xFFFFE000  }
0x12d: {  	_ =	swait.ge [sflag:s28], $0x2000  }
0x12e: {  	[sflag:s28] =	ssyncset.done $0x0  }
0x12f: {  	[sflag:s28] =	ssyncadd.s32 $0xFFFFE000  }
0x130: {  	_ =	swait.ge [sflag:s28], $0x2000  }
0x131: {  	[sflag:s28] =	ssyncset.done $0x0  }
0x132: {  	[sflag:s28] =	ssyncadd.s32 $0xFFFFE000  }
0x133: {  	_ =	swait.ge [sflag:s28], $0x2000  }
0x134: {  	[sflag:s28] =	ssyncset.done $0x0  }
0x135: {  	[sflag:s28] =	ssyncadd.s32 $0xFFFFE000  }
0x136: {  	_ =	swait.ge [sflag:s28], $0x2000  }
0x137: {  	[sflag:s28] =	ssyncset.done $0x0  }
0x138: {  	[sflag:s28] =	ssyncadd.s32 $0xFFFFE000  }
0x139: {  	_ =	swait.ge [sflag:s28], $0x2000  }
0x13a: {  	[sflag:s28] =	ssyncset.done $0x0  }
0x13b: {  	[sflag:s28] =	ssyncadd.s32 $0xFFFFE000  }
0x13c: {  	_ =	swait.ge [sflag:s28], $0x2000  }
0x13d: {  	[sflag:s28] =	ssyncset.done $0x0  }
0x13e: {  	[sflag:s28] =	ssyncadd.s32 $0xFFFFE000  }
0x13f: {  	_ =	swait.ge [sflag:s28], $0x2000  }
0x140: {  	[sflag:s28] =	ssyncset.done $0x0  }
0x141: {  	[sflag:s28] =	ssyncadd.s32 $0xFFFFE000  }
0x142: {  	_ =	swait.ge [sflag:s28], $0x2000  }
0x143: {  	[sflag:s28] =	ssyncset.done $0x0  }
0x144: {  	[sflag:s28] =	ssyncadd.s32 $0xFFFFE000  }
0x145: {  	_ =	swait.ge [sflag:s28], $0x2000  }
0x146: {  	[sflag:s28] =	ssyncset.done $0x0  }
0x147: {  	s29 =	sadd.s32 $0x1, s29;
	[sflag:s28] =	ssyncadd.s32 $0xFFFFE000  }
0x148: {  	p0 =	sne.s32 s29, s9;
	_ =	swait.ge [sflag:s28], $0x2000  }
.Ltmp3:
0x149: {  	[sflag:s28] =	ssyncset.done $0x0;
	(pc) =	sbr.rel @p0 .LBB2_1-.Ltmp3, $4  }
0x14a: {  	[sflag:s28] =	ssyncadd.s32 $0xFFFFE000  }
0x14b: {  	_ =	swait.ge [sflag:s28], $0x2000  }
0x14c: {  	[sflag:s28] =	ssyncset.done $0x0  }
0x14d: {  	[sflag:s28] =	ssyncadd.s32 $0xFFFFE000  }
0x14e: {  	_ =	sfence.sel $0x180000  }
0x14f: {  	[bflag:$0x0] =	sbarrier.arrive $0xFFFF  }
0x150: {  	_ =	strace $0x90000047  }
0x151: {  	s0 =	stileid.u32;
	[bflag:$0x2] =	sbarrier.arrive $0xFFFF  }
0x152: {  	p0 =	sne.s32 s0, $0x0;
	s0 =	rddreg [dreg:$0x3]  }
0x153: {  	s0 =	sadd.s32 @!p0 $0x100000, s0  }
0x154: {  	[sflag:s0] =	ssyncadd.tile.s32 @!p0 $0x1;
	_ =	shalt  }
.Lfunc_end2:
_tile_overlayer_lowered:
.L_overlay_start_2:
0x155: {  	(tag) =	ssettag $0x2  }
0x156: {  	s0 =	rddreg [dreg:$0x0];
	s2 =	stileid.u32  }
0x157: {  	s1 =	rddreg [dreg:$0x1];
	p0 =	sne.s32 s2, $0x0  }
0x158: {  	s3 =	rddreg [dreg:$0x2];
	[bflag:$0x3] =	sbarrier.arrive $0xFFFF;
	s2 =	simm.s32 @!p0 $0x1C03  }
0x159: {  	[timem:s3], [sflag:s2] =	dma.local @!p0 [hbm:s0], s1  }
0x15a: {  	s0 =	simm.s32 @!p0 $0x3  }
0x15b: {  	_ =	swait.ge @!p0 [sflag:s0], s1  }
0x15c: {  	s1 =	ssub.s32 @!p0 $0x0, s1;
	[sflag:s0] =	ssyncset.done @!p0 $0x0  }
0x15d: {  	[sflag:s0] =	ssyncadd.s32 @!p0 s1  }
0x15e: {  	[bflag:$0x3] =	sbarrier.arrive $0xFFFF  }
0x15f: {  	_ =	shalt  }

</sc_bundles>
